<compile_context>
chip_gen: v7x
topology: tpu7x:2x2x1
jax: 0.10.2.dev20260603
libtpu: 0.0.44.dev20260713+nightly
codegen_flags: <defaults>
</compile_context>

<pallas_src>
import functools

import jax
import jax.numpy as jnp
from jax import lax
from jax.experimental import pallas as pl
from jax.experimental.pallas import tpu as pltpu
from jax.experimental.pallas import tpu_sc as plsc

_B, _T, _C, _P, _R = 2048, 24, 4, 3, 17
_NC, _NS, _L = 2, 16, 16
_NW = _NC * _NS
_BW = _B // _NW
_NCH = _BW // _L
_RP = 24
_NTB = _P * _P + _P
_SH = 7

_C0 = 0.00014151217537855532 + 1e-4
_C1 = 0.9954273382579939
_C2 = -0.4640725804471406
_C3 = 0.21641043832783918
_C4 = -0.054862852862074235


def _alpha(y):
    t = jnp.exp(-jnp.abs(y))
    t2 = t * t
    q01 = jnp.float32(_C1) * t + jnp.float32(_C0)
    q23 = jnp.float32(_C3) * t + jnp.float32(_C2)
    p = (jnp.float32(_C4) * t2 + q23) * t2 + q01
    return jnp.maximum(y, jnp.float32(0.0)) + p


def _sc_body(ns_hbm, pk_hbm, tbl_hbm, out_hbm, ns_v, pk_v, sem, *tbl):
    wid = lax.axis_index("s") * _NC + lax.axis_index("c")
    col = wid * _BW
    copies = [
        pltpu.make_async_copy(ns_hbm.at[:, pl.ds(col, _BW)], ns_v, sem),
        pltpu.make_async_copy(pk_hbm.at[:, pl.ds(col, _BW)], pk_v, sem),
    ] + [
        pltpu.make_async_copy(tbl_hbm.at[pl.ds(k * _RP, _RP)], tbl[k], sem)
        for k in range(_NTB)
    ]
    for c in copies:
        c.start()
    for c in copies:
        c.wait()

    iota = lax.broadcasted_iota(jnp.int32, (_L,), 0)
    cols = [iota + ch * _L for ch in range(_NCH)]

    def step(i, carry):
        i3 = i * _P
        par = tuple(ns_v[i3 + q, pl.ds(ch * _L, _L)]
                    for ch in range(_NCH) for q in range(_P))

        def jstep(j, par):
            r = i * _C + j
            out = []
            for ch in range(_NCH):
                pk = pk_v[r, pl.ds(ch * _L, _L)]
                ca = pk & ((1 << _SH) - 1)
                rl = lax.shift_right_logical(pk, _SH)
                p0, p1, p2 = par[ch * _P], par[ch * _P + 1], par[ch * _P + 2]
                self_ref = ca == i3
                c0 = jnp.where(self_ref, p0, plsc.load_gather(ns_v, [ca, cols[ch]]))
                c1 = jnp.where(self_ref, p1, plsc.load_gather(ns_v, [ca + 1, cols[ch]]))
                c2 = jnp.where(self_ref, p2, plsc.load_gather(ns_v, [ca + 2, cols[ch]]))
                m = [plsc.load_gather(tbl[k], [rl]) for k in range(9)]
                b = [plsc.load_gather(tbl[9 + q], [rl]) for q in range(_P)]
                a0 = _alpha(p0 * (m[0] * c0 + m[1] * c1 + m[2] * c2) + b[0])
                a1 = _alpha(p1 * (m[3] * c0 + m[4] * c1 + m[5] * c2) + b[1])
                a2 = _alpha(p2 * (m[6] * c0 + m[7] * c1 + m[8] * c2) + b[2])
                rinv = jnp.float32(1.0) / (a0 + a1 + a2)
                keep = rl != 0
                out += [jnp.where(keep, a0 * rinv, p0),
                        jnp.where(keep, a1 * rinv, p1),
                        jnp.where(keep, a2 * rinv, p2)]
            return tuple(out)

        par = lax.fori_loop(0, _C, jstep, par)
        for ch in range(_NCH):
            for q in range(_P):
                ns_v[i3 + q, pl.ds(ch * _L, _L)] = par[ch * _P + q]
        return carry

    lax.fori_loop(0, _T, step, 0)
    pltpu.sync_copy(ns_v.at[pl.ds((_T - 1) * _P, _P), :],
                    out_hbm.at[:, pl.ds(col, _BW)])


@functools.partial(
    pl.kernel,
    out_type=jax.ShapeDtypeStruct((_P, _B), jnp.float32),
    mesh=plsc.VectorSubcoreMesh(core_axis_name="c", subcore_axis_name="s",
                                num_cores=_NC, num_subcores=_NS),
    compiler_params=pltpu.CompilerParams(needs_layout_passes=False,
                                         use_tc_tiling_on_sc=False),
    scratch_types=[
        pltpu.VMEM((_T * _P, _BW), jnp.float32),
        pltpu.VMEM((_T * _C, _BW), jnp.int32),
        pltpu.SemaphoreType.DMA,
    ] + [pltpu.VMEM((_RP,), jnp.float32) for _ in range(_NTB)],
)
def _sc_kernel(*refs):
    _sc_body(*refs)


def kernel(node_scores, children, rels, labels, M, beta, scale):
    del labels
    ns_t = (node_scores.astype(jnp.float32)
            .transpose(1, 2, 0).reshape(_T * _P, _B))
    pk = (children.astype(jnp.int32) * _P
          + (rels.astype(jnp.int32) << _SH))
    pk_t = pk.transpose(1, 2, 0).reshape(_T * _C, _B)
    mt = (M.astype(jnp.float32) * scale).reshape(_R, _P * _P).transpose(1, 0)
    bt = beta.astype(jnp.float32).transpose(1, 0)
    tbl = jnp.pad(jnp.concatenate([mt, bt], axis=0), ((0, 0), (0, _RP - _R)))
    out = _sc_kernel(ns_t, pk_t, tbl.reshape(_NTB * _RP))
    return out.transpose(1, 0)

# --- scband reference (transcript-rebuilt; emitter-appended) ---
"""Pipeline reference for scband-rdpmodel-15049565405421 (READ-ONLY COPY).

The authoritative reference and input builder live on the scoring server;
editing this copy changes nothing except your own understanding.
"""

import jax, jax.numpy as jnp
import numpy as np

B, T, C, P, R = 2048, 24, 4, 3, 17


def setup_inputs(seed: int = 0) -> dict:
    key = jax.random.key(seed)
    k1, k2, k3, k4, k5, k6 = jax.random.split(key, 6)
    ns = jax.random.uniform(k1, (B, T, P), dtype=jnp.float32) + 1e-2
    ns = ns / ns.sum(-1, keepdims=True)  # proper probability simplex per node
    children = jax.random.randint(k2, (B, T, C), 0, T).astype(jnp.int64)
    rels = jax.random.randint(k3, (B, T, C), 0, R).astype(jnp.int64)
    labels = jax.random.randint(k4, (B,), 0, P).astype(jnp.int64)
    # learned params of the AlphaModel: per-relation mixing matrix M, bias beta, scale
    M = jax.random.normal(k5, (R, P, P), dtype=jnp.float32) * 0.1 + jnp.eye(P, dtype=jnp.float32)[None]
    beta = jax.random.normal(k6, (R, P), dtype=jnp.float32) * 0.01
    scale = jnp.asarray(5.0, dtype=jnp.float32)
    return {"node_scores": ns, "children": children, "rels": rels,
            "labels": labels, "M": M, "beta": beta, "scale": scale}


def reference(node_scores, children, rels, labels, M, beta, scale):
    # Deterministic translation of RDPModel.guide: recursive Dirichlet
    # propagation over discourse trees. The pyro Dirichlet sample is
    # replaced by its mean alpha / sum(alpha) (AutoDelta / MAP behavior).
    # rel == 0 (None relation) copies the parent scores unchanged.
    Bn, Tn, Pn = node_scores.shape
    Cn = children.shape[-1]
    binds = jnp.arange(Bn)
    ns = node_scores
    for i in range(Tn):
        for j in range(Cn):
            prnt = ns[:, i]                      # [B, P]
            cidx = children[:, i, j]             # [B]
            child = ns[binds, cidx]              # gather child scores [B, P]
            rel = rels[:, i, j]                  # [B]
            Mr = jnp.take(M, rel, axis=0)        # [B, P, P]
            br = jnp.take(beta, rel, axis=0)     # [B, P]
            msg = jnp.einsum('bpq,bq->bp', Mr, child)
            alpha = jax.nn.softplus(scale * prnt * msg + br) + 1e-4
            z = alpha / alpha.sum(-1, keepdims=True)
            mask = (rel != 0)[:, None]
            ns = ns.at[:, i].set(jnp.where(mask, z, prnt))
    z_last = ns[:, -1]                           # root node distribution
    return z_last

if __name__ == "__main__":
    import jax
    _d = setup_inputs()
    print(jax.jit(kernel)(*tuple(_d.values())))

</pallas_src>

<mosaic_0001>
#map = affine_map<(d0, d1) -> (0, 0)>
#map1 = affine_map<(d0, d1) -> (0)>
module attributes {stable_mosaic.version = 14 : i64} {
  func.func @_sc_kernel(%arg0: i32, %arg1: i32, %arg2: memref<72x2048xf32, #tpu.memory_space<hbm>>, %arg3: memref<96x2048xi32, #tpu.memory_space<hbm>>, %arg4: memref<288xf32, #tpu.memory_space<hbm>>, %arg5: memref<3x2048xf32, #tpu.memory_space<hbm>>, %arg6: memref<72x64xf32, #tpu.memory_space<vmem>>, %arg7: memref<96x64xi32, #tpu.memory_space<vmem>>, %arg8: memref<!tpu.dma_semaphore, #tpu.memory_space<semaphore_mem>>, %arg9: memref<24xf32, #tpu.memory_space<vmem>>, %arg10: memref<24xf32, #tpu.memory_space<vmem>>, %arg11: memref<24xf32, #tpu.memory_space<vmem>>, %arg12: memref<24xf32, #tpu.memory_space<vmem>>, %arg13: memref<24xf32, #tpu.memory_space<vmem>>, %arg14: memref<24xf32, #tpu.memory_space<vmem>>, %arg15: memref<24xf32, #tpu.memory_space<vmem>>, %arg16: memref<24xf32, #tpu.memory_space<vmem>>, %arg17: memref<24xf32, #tpu.memory_space<vmem>>, %arg18: memref<24xf32, #tpu.memory_space<vmem>>, %arg19: memref<24xf32, #tpu.memory_space<vmem>>, %arg20: memref<24xf32, #tpu.memory_space<vmem>>) attributes {dimension_semantics = [#tpu.dimension_semantics<core_parallel>, #tpu.dimension_semantics<subcore_parallel>], iteration_bounds = array<i64: 2, 16>, scalar_prefetch = 0 : i64, scratch_operands = 15 : i64, tpu.core_type = #tpu.core_type<sc_vector_subcore>, window_params = [{transform_indices = #map}, {transform_indices = #map}, {transform_indices = #map1}, {transform_indices = #map}]} {
    %mul3A = arith.constant 2 : i32
    %mul3A_0 = arith.muli %arg1, %mul3A : i32
    %add3A = arith.addi %mul3A_0, %arg0 : i32
    %mul3A_1 = arith.constant 64 : i32
    %mul3A_2 = arith.muli %add3A, %mul3A_1 : i32
    %dma_start3A = arith.constant 0 : i32
    %dma_start3A_3 = tpu.memref_slice %arg2[%dma_start3A, %mul3A_2] : memref<72x2048xf32, #tpu.memory_space<hbm>> -> memref<72x64xf32, #tpu.memory_space<hbm>>
    %dma_start3A_4 = arith.constant 0 : i32
    %dma_start3A_5 = tpu.memref_slice %arg2[%dma_start3A_4, %mul3A_2] : memref<72x2048xf32, #tpu.memory_space<hbm>> -> memref<72x64xf32, #tpu.memory_space<hbm>>
    tpu.enqueue_dma source(%dma_start3A_5 : memref<72x64xf32, #tpu.memory_space<hbm>>) target(%arg6 : memref<72x64xf32, #tpu.memory_space<vmem>>) target_semaphore(%arg8 : memref<!tpu.dma_semaphore, #tpu.memory_space<semaphore_mem>>)
    %dma_start3A_6 = arith.constant 0 : i32
    %dma_start3A_7 = tpu.memref_slice %arg3[%dma_start3A_6, %mul3A_2] : memref<96x2048xi32, #tpu.memory_space<hbm>> -> memref<96x64xi32, #tpu.memory_space<hbm>>
    %dma_start3A_8 = arith.constant 0 : i32
    %dma_start3A_9 = tpu.memref_slice %arg3[%dma_start3A_8, %mul3A_2] : memref<96x2048xi32, #tpu.memory_space<hbm>> -> memref<96x64xi32, #tpu.memory_space<hbm>>
    tpu.enqueue_dma source(%dma_start3A_9 : memref<96x64xi32, #tpu.memory_space<hbm>>) target(%arg7 : memref<96x64xi32, #tpu.memory_space<vmem>>) target_semaphore(%arg8 : memref<!tpu.dma_semaphore, #tpu.memory_space<semaphore_mem>>)
    %dma_start3A_10 = arith.constant 0 : i32
    %dma_start3A_11 = tpu.memref_slice %arg4[%dma_start3A_10] : memref<288xf32, #tpu.memory_space<hbm>> -> memref<24xf32, #tpu.memory_space<hbm>>
    %dma_start3A_12 = arith.constant 0 : i32
    %dma_start3A_13 = tpu.memref_slice %arg4[%dma_start3A_12] : memref<288xf32, #tpu.memory_space<hbm>> -> memref<24xf32, #tpu.memory_space<hbm>>
    tpu.enqueue_dma source(%dma_start3A_13 : memref<24xf32, #tpu.memory_space<hbm>>) target(%arg9 : memref<24xf32, #tpu.memory_space<vmem>>) target_semaphore(%arg8 : memref<!tpu.dma_semaphore, #tpu.memory_space<semaphore_mem>>)
    %dma_start3A_14 = arith.constant 24 : i32
    %dma_start3A_15 = tpu.memref_slice %arg4[%dma_start3A_14] : memref<288xf32, #tpu.memory_space<hbm>> -> memref<24xf32, #tpu.memory_space<hbm>>
    %dma_start3A_16 = arith.constant 24 : i32
    %dma_start3A_17 = tpu.memref_slice %arg4[%dma_start3A_16] : memref<288xf32, #tpu.memory_space<hbm>> -> memref<24xf32, #tpu.memory_space<hbm>>
    tpu.enqueue_dma source(%dma_start3A_17 : memref<24xf32, #tpu.memory_space<hbm>>) target(%arg10 : memref<24xf32, #tpu.memory_space<vmem>>) target_semaphore(%arg8 : memref<!tpu.dma_semaphore, #tpu.memory_space<semaphore_mem>>)
    %dma_start3A_18 = arith.constant 48 : i32
    %dma_start3A_19 = tpu.memref_slice %arg4[%dma_start3A_18] : memref<288xf32, #tpu.memory_space<hbm>> -> memref<24xf32, #tpu.memory_space<hbm>>
    %dma_start3A_20 = arith.constant 48 : i32
    %dma_start3A_21 = tpu.memref_slice %arg4[%dma_start3A_20] : memref<288xf32, #tpu.memory_space<hbm>> -> memref<24xf32, #tpu.memory_space<hbm>>
    tpu.enqueue_dma source(%dma_start3A_21 : memref<24xf32, #tpu.memory_space<hbm>>) target(%arg11 : memref<24xf32, #tpu.memory_space<vmem>>) target_semaphore(%arg8 : memref<!tpu.dma_semaphore, #tpu.memory_space<semaphore_mem>>)
    %dma_start3A_22 = arith.constant 72 : i32
    %dma_start3A_23 = tpu.memref_slice %arg4[%dma_start3A_22] : memref<288xf32, #tpu.memory_space<hbm>> -> memref<24xf32, #tpu.memory_space<hbm>>
    %dma_start3A_24 = arith.constant 72 : i32
    %dma_start3A_25 = tpu.memref_slice %arg4[%dma_start3A_24] : memref<288xf32, #tpu.memory_space<hbm>> -> memref<24xf32, #tpu.memory_space<hbm>>
    tpu.enqueue_dma source(%dma_start3A_25 : memref<24xf32, #tpu.memory_space<hbm>>) target(%arg12 : memref<24xf32, #tpu.memory_space<vmem>>) target_semaphore(%arg8 : memref<!tpu.dma_semaphore, #tpu.memory_space<semaphore_mem>>)
    %dma_start3A_26 = arith.constant 96 : i32
    %dma_start3A_27 = tpu.memref_slice %arg4[%dma_start3A_26] : memref<288xf32, #tpu.memory_space<hbm>> -> memref<24xf32, #tpu.memory_space<hbm>>
    %dma_start3A_28 = arith.constant 96 : i32
    %dma_start3A_29 = tpu.memref_slice %arg4[%dma_start3A_28] : memref<288xf32, #tpu.memory_space<hbm>> -> memref<24xf32, #tpu.memory_space<hbm>>
    tpu.enqueue_dma source(%dma_start3A_29 : memref<24xf32, #tpu.memory_space<hbm>>) target(%arg13 : memref<24xf32, #tpu.memory_space<vmem>>) target_semaphore(%arg8 : memref<!tpu.dma_semaphore, #tpu.memory_space<semaphore_mem>>)
    %dma_start3A_30 = arith.constant 120 : i32
    %dma_start3A_31 = tpu.memref_slice %arg4[%dma_start3A_30] : memref<288xf32, #tpu.memory_space<hbm>> -> memref<24xf32, #tpu.memory_space<hbm>>
    %dma_start3A_32 = arith.constant 120 : i32
    %dma_start3A_33 = tpu.memref_slice %arg4[%dma_start3A_32] : memref<288xf32, #tpu.memory_space<hbm>> -> memref<24xf32, #tpu.memory_space<hbm>>
    tpu.enqueue_dma source(%dma_start3A_33 : memref<24xf32, #tpu.memory_space<hbm>>) target(%arg14 : memref<24xf32, #tpu.memory_space<vmem>>) target_semaphore(%arg8 : memref<!tpu.dma_semaphore, #tpu.memory_space<semaphore_mem>>)
    %dma_start3A_34 = arith.constant 144 : i32
    %dma_start3A_35 = tpu.memref_slice %arg4[%dma_start3A_34] : memref<288xf32, #tpu.memory_space<hbm>> -> memref<24xf32, #tpu.memory_space<hbm>>
    %dma_start3A_36 = arith.constant 144 : i32
    %dma_start3A_37 = tpu.memref_slice %arg4[%dma_start3A_36] : memref<288xf32, #tpu.memory_space<hbm>> -> memref<24xf32, #tpu.memory_space<hbm>>
    tpu.enqueue_dma source(%dma_start3A_37 : memref<24xf32, #tpu.memory_space<hbm>>) target(%arg15 : memref<24xf32, #tpu.memory_space<vmem>>) target_semaphore(%arg8 : memref<!tpu.dma_semaphore, #tpu.memory_space<semaphore_mem>>)
    %dma_start3A_38 = arith.constant 168 : i32
    %dma_start3A_39 = tpu.memref_slice %arg4[%dma_start3A_38] : memref<288xf32, #tpu.memory_space<hbm>> -> memref<24xf32, #tpu.memory_space<hbm>>
    %dma_start3A_40 = arith.constant 168 : i32
    %dma_start3A_41 = tpu.memref_slice %arg4[%dma_start3A_40] : memref<288xf32, #tpu.memory_space<hbm>> -> memref<24xf32, #tpu.memory_space<hbm>>
    tpu.enqueue_dma source(%dma_start3A_41 : memref<24xf32, #tpu.memory_space<hbm>>) target(%arg16 : memref<24xf32, #tpu.memory_space<vmem>>) target_semaphore(%arg8 : memref<!tpu.dma_semaphore, #tpu.memory_space<semaphore_mem>>)
    %dma_start3A_42 = arith.constant 192 : i32
    %dma_start3A_43 = tpu.memref_slice %arg4[%dma_start3A_42] : memref<288xf32, #tpu.memory_space<hbm>> -> memref<24xf32, #tpu.memory_space<hbm>>
    %dma_start3A_44 = arith.constant 192 : i32
    %dma_start3A_45 = tpu.memref_slice %arg4[%dma_start3A_44] : memref<288xf32, #tpu.memory_space<hbm>> -> memref<24xf32, #tpu.memory_space<hbm>>
    tpu.enqueue_dma source(%dma_start3A_45 : memref<24xf32, #tpu.memory_space<hbm>>) target(%arg17 : memref<24xf32, #tpu.memory_space<vmem>>) target_semaphore(%arg8 : memref<!tpu.dma_semaphore, #tpu.memory_space<semaphore_mem>>)
    %dma_start3A_46 = arith.constant 216 : i32
    %dma_start3A_47 = tpu.memref_slice %arg4[%dma_start3A_46] : memref<288xf32, #tpu.memory_space<hbm>> -> memref<24xf32, #tpu.memory_space<hbm>>
    %dma_start3A_48 = arith.constant 216 : i32
    %dma_start3A_49 = tpu.memref_slice %arg4[%dma_start3A_48] : memref<288xf32, #tpu.memory_space<hbm>> -> memref<24xf32, #tpu.memory_space<hbm>>
    tpu.enqueue_dma source(%dma_start3A_49 : memref<24xf32, #tpu.memory_space<hbm>>) target(%arg18 : memref<24xf32, #tpu.memory_space<vmem>>) target_semaphore(%arg8 : memref<!tpu.dma_semaphore, #tpu.memory_space<semaphore_mem>>)
    %dma_start3A_50 = arith.constant 240 : i32
    %dma_start3A_51 = tpu.memref_slice %arg4[%dma_start3A_50] : memref<288xf32, #tpu.memory_space<hbm>> -> memref<24xf32, #tpu.memory_space<hbm>>
    %dma_start3A_52 = arith.constant 240 : i32
    %dma_start3A_53 = tpu.memref_slice %arg4[%dma_start3A_52] : memref<288xf32, #tpu.memory_space<hbm>> -> memref<24xf32, #tpu.memory_space<hbm>>
    tpu.enqueue_dma source(%dma_start3A_53 : memref<24xf32, #tpu.memory_space<hbm>>) target(%arg19 : memref<24xf32, #tpu.memory_space<vmem>>) target_semaphore(%arg8 : memref<!tpu.dma_semaphore, #tpu.memory_space<semaphore_mem>>)
    %dma_start3A_54 = arith.constant 264 : i32
    %dma_start3A_55 = tpu.memref_slice %arg4[%dma_start3A_54] : memref<288xf32, #tpu.memory_space<hbm>> -> memref<24xf32, #tpu.memory_space<hbm>>
    %dma_start3A_56 = arith.constant 264 : i32
    %dma_start3A_57 = tpu.memref_slice %arg4[%dma_start3A_56] : memref<288xf32, #tpu.memory_space<hbm>> -> memref<24xf32, #tpu.memory_space<hbm>>
    tpu.enqueue_dma source(%dma_start3A_57 : memref<24xf32, #tpu.memory_space<hbm>>) target(%arg20 : memref<24xf32, #tpu.memory_space<vmem>>) target_semaphore(%arg8 : memref<!tpu.dma_semaphore, #tpu.memory_space<semaphore_mem>>)
    %dma_wait3A = arith.constant 0 : i32
    %dma_wait3A_58 = tpu.memref_slice %arg2[%dma_wait3A, %mul3A_2] : memref<72x2048xf32, #tpu.memory_space<hbm>> -> memref<72x64xf32, #tpu.memory_space<hbm>>
    %dma_wait3A_59 = arith.constant 0 : i32
    %dma_wait3A_60 = tpu.memref_slice %arg2[%dma_wait3A_59, %mul3A_2] : memref<72x2048xf32, #tpu.memory_space<hbm>> -> memref<72x64xf32, #tpu.memory_space<hbm>>
    tpu.wait_dma2 semaphore(%arg8 : memref<!tpu.dma_semaphore, #tpu.memory_space<semaphore_mem>>) src(%dma_wait3A_60 : memref<72x64xf32, #tpu.memory_space<hbm>>) dst(%arg6 : memref<72x64xf32, #tpu.memory_space<vmem>>)
    %dma_wait3A_61 = arith.constant 0 : i32
    %dma_wait3A_62 = tpu.memref_slice %arg3[%dma_wait3A_61, %mul3A_2] : memref<96x2048xi32, #tpu.memory_space<hbm>> -> memref<96x64xi32, #tpu.memory_space<hbm>>
    %dma_wait3A_63 = arith.constant 0 : i32
    %dma_wait3A_64 = tpu.memref_slice %arg3[%dma_wait3A_63, %mul3A_2] : memref<96x2048xi32, #tpu.memory_space<hbm>> -> memref<96x64xi32, #tpu.memory_space<hbm>>
    tpu.wait_dma2 semaphore(%arg8 : memref<!tpu.dma_semaphore, #tpu.memory_space<semaphore_mem>>) src(%dma_wait3A_64 : memref<96x64xi32, #tpu.memory_space<hbm>>) dst(%arg7 : memref<96x64xi32, #tpu.memory_space<vmem>>)
    %dma_wait3A_65 = arith.constant 0 : i32
    %dma_wait3A_66 = tpu.memref_slice %arg4[%dma_wait3A_65] : memref<288xf32, #tpu.memory_space<hbm>> -> memref<24xf32, #tpu.memory_space<hbm>>
    %dma_wait3A_67 = arith.constant 0 : i32
    %dma_wait3A_68 = tpu.memref_slice %arg4[%dma_wait3A_67] : memref<288xf32, #tpu.memory_space<hbm>> -> memref<24xf32, #tpu.memory_space<hbm>>
    tpu.wait_dma2 semaphore(%arg8 : memref<!tpu.dma_semaphore, #tpu.memory_space<semaphore_mem>>) src(%dma_wait3A_68 : memref<24xf32, #tpu.memory_space<hbm>>) dst(%arg9 : memref<24xf32, #tpu.memory_space<vmem>>)
    %dma_wait3A_69 = arith.constant 24 : i32
    %dma_wait3A_70 = tpu.memref_slice %arg4[%dma_wait3A_69] : memref<288xf32, #tpu.memory_space<hbm>> -> memref<24xf32, #tpu.memory_space<hbm>>
    %dma_wait3A_71 = arith.constant 24 : i32
    %dma_wait3A_72 = tpu.memref_slice %arg4[%dma_wait3A_71] : memref<288xf32, #tpu.memory_space<hbm>> -> memref<24xf32, #tpu.memory_space<hbm>>
    tpu.wait_dma2 semaphore(%arg8 : memref<!tpu.dma_semaphore, #tpu.memory_space<semaphore_mem>>) src(%dma_wait3A_72 : memref<24xf32, #tpu.memory_space<hbm>>) dst(%arg10 : memref<24xf32, #tpu.memory_space<vmem>>)
    %dma_wait3A_73 = arith.constant 48 : i32
    %dma_wait3A_74 = tpu.memref_slice %arg4[%dma_wait3A_73] : memref<288xf32, #tpu.memory_space<hbm>> -> memref<24xf32, #tpu.memory_space<hbm>>
    %dma_wait3A_75 = arith.constant 48 : i32
    %dma_wait3A_76 = tpu.memref_slice %arg4[%dma_wait3A_75] : memref<288xf32, #tpu.memory_space<hbm>> -> memref<24xf32, #tpu.memory_space<hbm>>
    tpu.wait_dma2 semaphore(%arg8 : memref<!tpu.dma_semaphore, #tpu.memory_space<semaphore_mem>>) src(%dma_wait3A_76 : memref<24xf32, #tpu.memory_space<hbm>>) dst(%arg11 : memref<24xf32, #tpu.memory_space<vmem>>)
    %dma_wait3A_77 = arith.constant 72 : i32
    %dma_wait3A_78 = tpu.memref_slice %arg4[%dma_wait3A_77] : memref<288xf32, #tpu.memory_space<hbm>> -> memref<24xf32, #tpu.memory_space<hbm>>
    %dma_wait3A_79 = arith.constant 72 : i32
    %dma_wait3A_80 = tpu.memref_slice %arg4[%dma_wait3A_79] : memref<288xf32, #tpu.memory_space<hbm>> -> memref<24xf32, #tpu.memory_space<hbm>>
    tpu.wait_dma2 semaphore(%arg8 : memref<!tpu.dma_semaphore, #tpu.memory_space<semaphore_mem>>) src(%dma_wait3A_80 : memref<24xf32, #tpu.memory_space<hbm>>) dst(%arg12 : memref<24xf32, #tpu.memory_space<vmem>>)
    %dma_wait3A_81 = arith.constant 96 : i32
    %dma_wait3A_82 = tpu.memref_slice %arg4[%dma_wait3A_81] : memref<288xf32, #tpu.memory_space<hbm>> -> memref<24xf32, #tpu.memory_space<hbm>>
    %dma_wait3A_83 = arith.constant 96 : i32
    %dma_wait3A_84 = tpu.memref_slice %arg4[%dma_wait3A_83] : memref<288xf32, #tpu.memory_space<hbm>> -> memref<24xf32, #tpu.memory_space<hbm>>
    tpu.wait_dma2 semaphore(%arg8 : memref<!tpu.dma_semaphore, #tpu.memory_space<semaphore_mem>>) src(%dma_wait3A_84 : memref<24xf32, #tpu.memory_space<hbm>>) dst(%arg13 : memref<24xf32, #tpu.memory_space<vmem>>)
    %dma_wait3A_85 = arith.constant 120 : i32
    %dma_wait3A_86 = tpu.memref_slice %arg4[%dma_wait3A_85] : memref<288xf32, #tpu.memory_space<hbm>> -> memref<24xf32, #tpu.memory_space<hbm>>
    %dma_wait3A_87 = arith.constant 120 : i32
    %dma_wait3A_88 = tpu.memref_slice %arg4[%dma_wait3A_87] : memref<288xf32, #tpu.memory_space<hbm>> -> memref<24xf32, #tpu.memory_space<hbm>>
    tpu.wait_dma2 semaphore(%arg8 : memref<!tpu.dma_semaphore, #tpu.memory_space<semaphore_mem>>) src(%dma_wait3A_88 : memref<24xf32, #tpu.memory_space<hbm>>) dst(%arg14 : memref<24xf32, #tpu.memory_space<vmem>>)
    %dma_wait3A_89 = arith.constant 144 : i32
    %dma_wait3A_90 = tpu.memref_slice %arg4[%dma_wait3A_89] : memref<288xf32, #tpu.memory_space<hbm>> -> memref<24xf32, #tpu.memory_space<hbm>>
    %dma_wait3A_91 = arith.constant 144 : i32
    %dma_wait3A_92 = tpu.memref_slice %arg4[%dma_wait3A_91] : memref<288xf32, #tpu.memory_space<hbm>> -> memref<24xf32, #tpu.memory_space<hbm>>
    tpu.wait_dma2 semaphore(%arg8 : memref<!tpu.dma_semaphore, #tpu.memory_space<semaphore_mem>>) src(%dma_wait3A_92 : memref<24xf32, #tpu.memory_space<hbm>>) dst(%arg15 : memref<24xf32, #tpu.memory_space<vmem>>)
    %dma_wait3A_93 = arith.constant 168 : i32
    %dma_wait3A_94 = tpu.memref_slice %arg4[%dma_wait3A_93] : memref<288xf32, #tpu.memory_space<hbm>> -> memref<24xf32, #tpu.memory_space<hbm>>
    %dma_wait3A_95 = arith.constant 168 : i32
    %dma_wait3A_96 = tpu.memref_slice %arg4[%dma_wait3A_95] : memref<288xf32, #tpu.memory_space<hbm>> -> memref<24xf32, #tpu.memory_space<hbm>>
    tpu.wait_dma2 semaphore(%arg8 : memref<!tpu.dma_semaphore, #tpu.memory_space<semaphore_mem>>) src(%dma_wait3A_96 : memref<24xf32, #tpu.memory_space<hbm>>) dst(%arg16 : memref<24xf32, #tpu.memory_space<vmem>>)
    %dma_wait3A_97 = arith.constant 192 : i32
    %dma_wait3A_98 = tpu.memref_slice %arg4[%dma_wait3A_97] : memref<288xf32, #tpu.memory_space<hbm>> -> memref<24xf32, #tpu.memory_space<hbm>>
    %dma_wait3A_99 = arith.constant 192 : i32
    %dma_wait3A_100 = tpu.memref_slice %arg4[%dma_wait3A_99] : memref<288xf32, #tpu.memory_space<hbm>> -> memref<24xf32, #tpu.memory_space<hbm>>
    tpu.wait_dma2 semaphore(%arg8 : memref<!tpu.dma_semaphore, #tpu.memory_space<semaphore_mem>>) src(%dma_wait3A_100 : memref<24xf32, #tpu.memory_space<hbm>>) dst(%arg17 : memref<24xf32, #tpu.memory_space<vmem>>)
    %dma_wait3A_101 = arith.constant 216 : i32
    %dma_wait3A_102 = tpu.memref_slice %arg4[%dma_wait3A_101] : memref<288xf32, #tpu.memory_space<hbm>> -> memref<24xf32, #tpu.memory_space<hbm>>
    %dma_wait3A_103 = arith.constant 216 : i32
    %dma_wait3A_104 = tpu.memref_slice %arg4[%dma_wait3A_103] : memref<288xf32, #tpu.memory_space<hbm>> -> memref<24xf32, #tpu.memory_space<hbm>>
    tpu.wait_dma2 semaphore(%arg8 : memref<!tpu.dma_semaphore, #tpu.memory_space<semaphore_mem>>) src(%dma_wait3A_104 : memref<24xf32, #tpu.memory_space<hbm>>) dst(%arg18 : memref<24xf32, #tpu.memory_space<vmem>>)
    %dma_wait3A_105 = arith.constant 240 : i32
    %dma_wait3A_106 = tpu.memref_slice %arg4[%dma_wait3A_105] : memref<288xf32, #tpu.memory_space<hbm>> -> memref<24xf32, #tpu.memory_space<hbm>>
    %dma_wait3A_107 = arith.constant 240 : i32
    %dma_wait3A_108 = tpu.memref_slice %arg4[%dma_wait3A_107] : memref<288xf32, #tpu.memory_space<hbm>> -> memref<24xf32, #tpu.memory_space<hbm>>
    tpu.wait_dma2 semaphore(%arg8 : memref<!tpu.dma_semaphore, #tpu.memory_space<semaphore_mem>>) src(%dma_wait3A_108 : memref<24xf32, #tpu.memory_space<hbm>>) dst(%arg19 : memref<24xf32, #tpu.memory_space<vmem>>)
    %dma_wait3A_109 = arith.constant 264 : i32
    %dma_wait3A_110 = tpu.memref_slice %arg4[%dma_wait3A_109] : memref<288xf32, #tpu.memory_space<hbm>> -> memref<24xf32, #tpu.memory_space<hbm>>
    %dma_wait3A_111 = arith.constant 264 : i32
    %dma_wait3A_112 = tpu.memref_slice %arg4[%dma_wait3A_111] : memref<288xf32, #tpu.memory_space<hbm>> -> memref<24xf32, #tpu.memory_space<hbm>>
    tpu.wait_dma2 semaphore(%arg8 : memref<!tpu.dma_semaphore, #tpu.memory_space<semaphore_mem>>) src(%dma_wait3A_112 : memref<24xf32, #tpu.memory_space<hbm>>) dst(%arg20 : memref<24xf32, #tpu.memory_space<vmem>>)
    %iota3A = tpu.iota {dimensions = array<i32: 0>} : vector<16xi32>
    %add3A_113 = arith.constant 0 : i32
    %add3A_114 = vector.broadcast %add3A_113 : i32 to vector<16xi32>
    %add3A_115 = arith.addi %iota3A, %add3A_114 : vector<16xi32>
    %add3A_116 = arith.constant 16 : i32
    %add3A_117 = vector.broadcast %add3A_116 : i32 to vector<16xi32>
    %add3A_118 = arith.addi %iota3A, %add3A_117 : vector<16xi32>
    %add3A_119 = arith.constant 32 : i32
    %add3A_120 = vector.broadcast %add3A_119 : i32 to vector<16xi32>
    %add3A_121 = arith.addi %iota3A, %add3A_120 : vector<16xi32>
    %add3A_122 = arith.constant 48 : i32
    %add3A_123 = vector.broadcast %add3A_122 : i32 to vector<16xi32>
    %add3A_124 = arith.addi %iota3A, %add3A_123 : vector<16xi32>
    %scan3A = arith.constant 0 : i32
    %scan3A_125 = arith.constant 0 : i32
    %scan3A_126 = arith.constant 24 : i32
    %scan3A_127 = arith.addi %scan3A_125, %scan3A_126 : i32
    %scan3A_128 = arith.constant 1 : i32
    scf.for %scan3A_130 = %scan3A_125 to %scan3A_127 step %scan3A_128  : i32 {
      %mul3A_131 = arith.constant 3 : i32
      %mul3A_132 = arith.muli %scan3A_130, %mul3A_131 : i32
      %add3A_133 = arith.constant 0 : i32
      %add3A_134 = arith.addi %mul3A_132, %add3A_133 : i32
      %get3A = arith.index_cast %add3A_134 : i32 to index
      %get3A_135 = arith.constant 0 : index
      %get3A_136 = tpu.vector_load %arg6[%get3A, %get3A_135] {strides = array<i32>} : memref<72x64xf32, #tpu.memory_space<vmem>>, vector<16xf32>,
      %add3A_137 = arith.constant 1 : i32
      %add3A_138 = arith.addi %mul3A_132, %add3A_137 : i32
      %get3A_139 = arith.index_cast %add3A_138 : i32 to index
      %get3A_140 = arith.constant 0 : index
      %get3A_141 = tpu.vector_load %arg6[%get3A_139, %get3A_140] {strides = array<i32>} : memref<72x64xf32, #tpu.memory_space<vmem>>, vector<16xf32>,
      %add3A_142 = arith.constant 2 : i32
      %add3A_143 = arith.addi %mul3A_132, %add3A_142 : i32
      %get3A_144 = arith.index_cast %add3A_143 : i32 to index
      %get3A_145 = arith.constant 0 : index
      %get3A_146 = tpu.vector_load %arg6[%get3A_144, %get3A_145] {strides = array<i32>} : memref<72x64xf32, #tpu.memory_space<vmem>>, vector<16xf32>,
      %add3A_147 = arith.constant 0 : i32
      %add3A_148 = arith.addi %mul3A_132, %add3A_147 : i32
      %get3A_149 = arith.index_cast %add3A_148 : i32 to index
      %get3A_150 = arith.constant 16 : index
      %get3A_151 = tpu.vector_load %arg6[%get3A_149, %get3A_150] {strides = array<i32>} : memref<72x64xf32, #tpu.memory_space<vmem>>, vector<16xf32>,
      %add3A_152 = arith.constant 1 : i32
      %add3A_153 = arith.addi %mul3A_132, %add3A_152 : i32
      %get3A_154 = arith.index_cast %add3A_153 : i32 to index
      %get3A_155 = arith.constant 16 : index
      %get3A_156 = tpu.vector_load %arg6[%get3A_154, %get3A_155] {strides = array<i32>} : memref<72x64xf32, #tpu.memory_space<vmem>>, vector<16xf32>,
      %add3A_157 = arith.constant 2 : i32
      %add3A_158 = arith.addi %mul3A_132, %add3A_157 : i32
      %get3A_159 = arith.index_cast %add3A_158 : i32 to index
      %get3A_160 = arith.constant 16 : index
      %get3A_161 = tpu.vector_load %arg6[%get3A_159, %get3A_160] {strides = array<i32>} : memref<72x64xf32, #tpu.memory_space<vmem>>, vector<16xf32>,
      %add3A_162 = arith.constant 0 : i32
      %add3A_163 = arith.addi %mul3A_132, %add3A_162 : i32
      %get3A_164 = arith.index_cast %add3A_163 : i32 to index
      %get3A_165 = arith.constant 32 : index
      %get3A_166 = tpu.vector_load %arg6[%get3A_164, %get3A_165] {strides = array<i32>} : memref<72x64xf32, #tpu.memory_space<vmem>>, vector<16xf32>,
      %add3A_167 = arith.constant 1 : i32
      %add3A_168 = arith.addi %mul3A_132, %add3A_167 : i32
      %get3A_169 = arith.index_cast %add3A_168 : i32 to index
      %get3A_170 = arith.constant 32 : index
      %get3A_171 = tpu.vector_load %arg6[%get3A_169, %get3A_170] {strides = array<i32>} : memref<72x64xf32, #tpu.memory_space<vmem>>, vector<16xf32>,
      %add3A_172 = arith.constant 2 : i32
      %add3A_173 = arith.addi %mul3A_132, %add3A_172 : i32
      %get3A_174 = arith.index_cast %add3A_173 : i32 to index
      %get3A_175 = arith.constant 32 : index
      %get3A_176 = tpu.vector_load %arg6[%get3A_174, %get3A_175] {strides = array<i32>} : memref<72x64xf32, #tpu.memory_space<vmem>>, vector<16xf32>,
      %add3A_177 = arith.constant 0 : i32
      %add3A_178 = arith.addi %mul3A_132, %add3A_177 : i32
      %get3A_179 = arith.index_cast %add3A_178 : i32 to index
      %get3A_180 = arith.constant 48 : index
      %get3A_181 = tpu.vector_load %arg6[%get3A_179, %get3A_180] {strides = array<i32>} : memref<72x64xf32, #tpu.memory_space<vmem>>, vector<16xf32>,
      %add3A_182 = arith.constant 1 : i32
      %add3A_183 = arith.addi %mul3A_132, %add3A_182 : i32
      %get3A_184 = arith.index_cast %add3A_183 : i32 to index
      %get3A_185 = arith.constant 48 : index
      %get3A_186 = tpu.vector_load %arg6[%get3A_184, %get3A_185] {strides = array<i32>} : memref<72x64xf32, #tpu.memory_space<vmem>>, vector<16xf32>,
      %add3A_187 = arith.constant 2 : i32
      %add3A_188 = arith.addi %mul3A_132, %add3A_187 : i32
      %get3A_189 = arith.index_cast %add3A_188 : i32 to index
      %get3A_190 = arith.constant 48 : index
      %get3A_191 = tpu.vector_load %arg6[%get3A_189, %get3A_190] {strides = array<i32>} : memref<72x64xf32, #tpu.memory_space<vmem>>, vector<16xf32>,
      %scan3A_192 = arith.constant 0 : i32
      %scan3A_193 = arith.constant 4 : i32
      %scan3A_194 = arith.addi %scan3A_192, %scan3A_193 : i32
      %scan3A_195 = arith.constant 1 : i32
      %scan3A_196:12 = scf.for %scan3A_257 = %scan3A_192 to %scan3A_194 step %scan3A_195 iter_args(%scan3A_258 = %get3A_136, %scan3A_259 = %get3A_141, %scan3A_260 = %get3A_146, %scan3A_261 = %get3A_151, %scan3A_262 = %get3A_156, %scan3A_263 = %get3A_161, %scan3A_264 = %get3A_166, %scan3A_265 = %get3A_171, %scan3A_266 = %get3A_176, %scan3A_267 = %get3A_181, %scan3A_268 = %get3A_186, %scan3A_269 = %get3A_191) -> (vector<16xf32>, vector<16xf32>, vector<16xf32>, vector<16xf32>, vector<16xf32>, vector<16xf32>, vector<16xf32>, vector<16xf32>, vector<16xf32>, vector<16xf32>, vector<16xf32>, vector<16xf32>)  : i32 {
        %mul3A_270 = arith.constant 4 : i32
        %mul3A_271 = arith.muli %scan3A_130, %mul3A_270 : i32
        %add3A_272 = arith.addi %mul3A_271, %scan3A_257 : i32
        %get3A_273 = arith.index_cast %add3A_272 : i32 to index
        %get3A_274 = arith.constant 0 : index
        %get3A_275 = tpu.vector_load %arg7[%get3A_273, %get3A_274] {strides = array<i32>} : memref<96x64xi32, #tpu.memory_space<vmem>>, vector<16xi32>,
        %and3A = arith.constant 127 : i32
        %and3A_276 = vector.broadcast %and3A : i32 to vector<16xi32>
        %and3A_277 = arith.andi %get3A_275, %and3A_276 : vector<16xi32>
        %shift_right_logical3A = arith.constant 7 : i32
        %shift_right_logical3A_278 = vector.broadcast %shift_right_logical3A : i32 to vector<16xi32>
        %shift_right_logical3A_279 = arith.shrui %get3A_275, %shift_right_logical3A_278 : vector<16xi32>
        %eq3A = vector.broadcast %mul3A_132 : i32 to vector<16xi32>
        %eq3A_280 = arith.cmpi eq, %and3A_277, %eq3A : vector<16xi32>
        %gather3A = tpu.vector_load_idx %arg6[%and3A_277, %add3A_115] : memref<72x64xf32, #tpu.memory_space<vmem>>[vector<16xi32>, vector<16xi32>], vector<16xf32>,
        %select_n3A = arith.select %eq3A_280, %scan3A_258, %gather3A : vector<16xi1>, vector<16xf32>
        %add3A_281 = arith.constant 1 : i32
        %add3A_282 = vector.broadcast %add3A_281 : i32 to vector<16xi32>
        %add3A_283 = arith.addi %and3A_277, %add3A_282 : vector<16xi32>
        %gather3A_284 = tpu.vector_load_idx %arg6[%add3A_283, %add3A_115] : memref<72x64xf32, #tpu.memory_space<vmem>>[vector<16xi32>, vector<16xi32>], vector<16xf32>,
        %select_n3A_285 = arith.select %eq3A_280, %scan3A_259, %gather3A_284 : vector<16xi1>, vector<16xf32>
        %add3A_286 = arith.constant 2 : i32
        %add3A_287 = vector.broadcast %add3A_286 : i32 to vector<16xi32>
        %add3A_288 = arith.addi %and3A_277, %add3A_287 : vector<16xi32>
        %gather3A_289 = tpu.vector_load_idx %arg6[%add3A_288, %add3A_115] : memref<72x64xf32, #tpu.memory_space<vmem>>[vector<16xi32>, vector<16xi32>], vector<16xf32>,
        %select_n3A_290 = arith.select %eq3A_280, %scan3A_260, %gather3A_289 : vector<16xi1>, vector<16xf32>
        %gather3A_291 = tpu.vector_load_idx %arg9[%shift_right_logical3A_279] : memref<24xf32, #tpu.memory_space<vmem>>[vector<16xi32>], vector<16xf32>,
        %gather3A_292 = tpu.vector_load_idx %arg10[%shift_right_logical3A_279] : memref<24xf32, #tpu.memory_space<vmem>>[vector<16xi32>], vector<16xf32>,
        %gather3A_293 = tpu.vector_load_idx %arg11[%shift_right_logical3A_279] : memref<24xf32, #tpu.memory_space<vmem>>[vector<16xi32>], vector<16xf32>,
        %gather3A_294 = tpu.vector_load_idx %arg12[%shift_right_logical3A_279] : memref<24xf32, #tpu.memory_space<vmem>>[vector<16xi32>], vector<16xf32>,
        %gather3A_295 = tpu.vector_load_idx %arg13[%shift_right_logical3A_279] : memref<24xf32, #tpu.memory_space<vmem>>[vector<16xi32>], vector<16xf32>,
        %gather3A_296 = tpu.vector_load_idx %arg14[%shift_right_logical3A_279] : memref<24xf32, #tpu.memory_space<vmem>>[vector<16xi32>], vector<16xf32>,
        %gather3A_297 = tpu.vector_load_idx %arg15[%shift_right_logical3A_279] : memref<24xf32, #tpu.memory_space<vmem>>[vector<16xi32>], vector<16xf32>,
        %gather3A_298 = tpu.vector_load_idx %arg16[%shift_right_logical3A_279] : memref<24xf32, #tpu.memory_space<vmem>>[vector<16xi32>], vector<16xf32>,
        %gather3A_299 = tpu.vector_load_idx %arg17[%shift_right_logical3A_279] : memref<24xf32, #tpu.memory_space<vmem>>[vector<16xi32>], vector<16xf32>,
        %gather3A_300 = tpu.vector_load_idx %arg18[%shift_right_logical3A_279] : memref<24xf32, #tpu.memory_space<vmem>>[vector<16xi32>], vector<16xf32>,
        %gather3A_301 = tpu.vector_load_idx %arg19[%shift_right_logical3A_279] : memref<24xf32, #tpu.memory_space<vmem>>[vector<16xi32>], vector<16xf32>,
        %gather3A_302 = tpu.vector_load_idx %arg20[%shift_right_logical3A_279] : memref<24xf32, #tpu.memory_space<vmem>>[vector<16xi32>], vector<16xf32>,
        %mul3A_303 = arith.mulf %gather3A_291, %select_n3A : vector<16xf32>
        %mul3A_304 = arith.mulf %gather3A_292, %select_n3A_285 : vector<16xf32>
        %add3A_305 = arith.addf %mul3A_303, %mul3A_304 : vector<16xf32>
        %mul3A_306 = arith.mulf %gather3A_293, %select_n3A_290 : vector<16xf32>
        %add3A_307 = arith.addf %add3A_305, %mul3A_306 : vector<16xf32>
        %mul3A_308 = arith.mulf %scan3A_258, %add3A_307 : vector<16xf32>
        %add3A_309 = arith.addf %mul3A_308, %gather3A_300 : vector<16xf32>
        %abs3A = math.absf %add3A_309 : vector<16xf32>
        %neg3A = arith.constant 0.000000e+00 : f32
        %neg3A_310 = vector.broadcast %neg3A : f32 to vector<16xf32>
        %neg3A_311 = arith.subf %neg3A_310, %abs3A : vector<16xf32>
        %exp3A = math.exp %neg3A_311 : vector<16xf32>
        %mul3A_312 = arith.mulf %exp3A, %exp3A : vector<16xf32>
        %mul3A_313 = arith.constant 0.99542731 : f32
        %mul3A_314 = vector.broadcast %mul3A_313 : f32 to vector<16xf32>
        %mul3A_315 = arith.mulf %mul3A_314, %exp3A : vector<16xf32>
        %add3A_316 = arith.constant 2.41512171E-4 : f32
        %add3A_317 = vector.broadcast %add3A_316 : f32 to vector<16xf32>
        %add3A_318 = arith.addf %mul3A_315, %add3A_317 : vector<16xf32>
        %mul3A_319 = arith.constant 0.216410443 : f32
        %mul3A_320 = vector.broadcast %mul3A_319 : f32 to vector<16xf32>
        %mul3A_321 = arith.mulf %mul3A_320, %exp3A : vector<16xf32>
        %add3A_322 = arith.constant -0.464072585 : f32
        %add3A_323 = vector.broadcast %add3A_322 : f32 to vector<16xf32>
        %add3A_324 = arith.addf %mul3A_321, %add3A_323 : vector<16xf32>
        %mul3A_325 = arith.constant -0.0548628531 : f32
        %mul3A_326 = vector.broadcast %mul3A_325 : f32 to vector<16xf32>
        %mul3A_327 = arith.mulf %mul3A_326, %mul3A_312 : vector<16xf32>
        %add3A_328 = arith.addf %mul3A_327, %add3A_324 : vector<16xf32>
        %mul3A_329 = arith.mulf %add3A_328, %mul3A_312 : vector<16xf32>
        %add3A_330 = arith.addf %mul3A_329, %add3A_318 : vector<16xf32>
        %max3A = arith.constant 0.000000e+00 : f32
        %max3A_331 = vector.broadcast %max3A : f32 to vector<16xf32>
        %max3A_332 = arith.maximumf %add3A_309, %max3A_331 : vector<16xf32>
        %add3A_333 = arith.addf %max3A_332, %add3A_330 : vector<16xf32>
        %mul3A_334 = arith.mulf %gather3A_294, %select_n3A : vector<16xf32>
        %mul3A_335 = arith.mulf %gather3A_295, %select_n3A_285 : vector<16xf32>
        %add3A_336 = arith.addf %mul3A_334, %mul3A_335 : vector<16xf32>
        %mul3A_337 = arith.mulf %gather3A_296, %select_n3A_290 : vector<16xf32>
        %add3A_338 = arith.addf %add3A_336, %mul3A_337 : vector<16xf32>
        %mul3A_339 = arith.mulf %scan3A_259, %add3A_338 : vector<16xf32>
        %add3A_340 = arith.addf %mul3A_339, %gather3A_301 : vector<16xf32>
        %abs3A_341 = math.absf %add3A_340 : vector<16xf32>
        %neg3A_342 = arith.constant 0.000000e+00 : f32
        %neg3A_343 = vector.broadcast %neg3A_342 : f32 to vector<16xf32>
        %neg3A_344 = arith.subf %neg3A_343, %abs3A_341 : vector<16xf32>
        %exp3A_345 = math.exp %neg3A_344 : vector<16xf32>
        %mul3A_346 = arith.mulf %exp3A_345, %exp3A_345 : vector<16xf32>
        %mul3A_347 = arith.constant 0.99542731 : f32
        %mul3A_348 = vector.broadcast %mul3A_347 : f32 to vector<16xf32>
        %mul3A_349 = arith.mulf %mul3A_348, %exp3A_345 : vector<16xf32>
        %add3A_350 = arith.constant 2.41512171E-4 : f32
        %add3A_351 = vector.broadcast %add3A_350 : f32 to vector<16xf32>
        %add3A_352 = arith.addf %mul3A_349, %add3A_351 : vector<16xf32>
        %mul3A_353 = arith.constant 0.216410443 : f32
        %mul3A_354 = vector.broadcast %mul3A_353 : f32 to vector<16xf32>
        %mul3A_355 = arith.mulf %mul3A_354, %exp3A_345 : vector<16xf32>
        %add3A_356 = arith.constant -0.464072585 : f32
        %add3A_357 = vector.broadcast %add3A_356 : f32 to vector<16xf32>
        %add3A_358 = arith.addf %mul3A_355, %add3A_357 : vector<16xf32>
        %mul3A_359 = arith.constant -0.0548628531 : f32
        %mul3A_360 = vector.broadcast %mul3A_359 : f32 to vector<16xf32>
        %mul3A_361 = arith.mulf %mul3A_360, %mul3A_346 : vector<16xf32>
        %add3A_362 = arith.addf %mul3A_361, %add3A_358 : vector<16xf32>
        %mul3A_363 = arith.mulf %add3A_362, %mul3A_346 : vector<16xf32>
        %add3A_364 = arith.addf %mul3A_363, %add3A_352 : vector<16xf32>
        %max3A_365 = arith.constant 0.000000e+00 : f32
        %max3A_366 = vector.broadcast %max3A_365 : f32 to vector<16xf32>
        %max3A_367 = arith.maximumf %add3A_340, %max3A_366 : vector<16xf32>
        %add3A_368 = arith.addf %max3A_367, %add3A_364 : vector<16xf32>
        %mul3A_369 = arith.mulf %gather3A_297, %select_n3A : vector<16xf32>
        %mul3A_370 = arith.mulf %gather3A_298, %select_n3A_285 : vector<16xf32>
        %add3A_371 = arith.addf %mul3A_369, %mul3A_370 : vector<16xf32>
        %mul3A_372 = arith.mulf %gather3A_299, %select_n3A_290 : vector<16xf32>
        %add3A_373 = arith.addf %add3A_371, %mul3A_372 : vector<16xf32>
        %mul3A_374 = arith.mulf %scan3A_260, %add3A_373 : vector<16xf32>
        %add3A_375 = arith.addf %mul3A_374, %gather3A_302 : vector<16xf32>
        %abs3A_376 = math.absf %add3A_375 : vector<16xf32>
        %neg3A_377 = arith.constant 0.000000e+00 : f32
        %neg3A_378 = vector.broadcast %neg3A_377 : f32 to vector<16xf32>
        %neg3A_379 = arith.subf %neg3A_378, %abs3A_376 : vector<16xf32>
        %exp3A_380 = math.exp %neg3A_379 : vector<16xf32>
        %mul3A_381 = arith.mulf %exp3A_380, %exp3A_380 : vector<16xf32>
        %mul3A_382 = arith.constant 0.99542731 : f32
        %mul3A_383 = vector.broadcast %mul3A_382 : f32 to vector<16xf32>
        %mul3A_384 = arith.mulf %mul3A_383, %exp3A_380 : vector<16xf32>
        %add3A_385 = arith.constant 2.41512171E-4 : f32
        %add3A_386 = vector.broadcast %add3A_385 : f32 to vector<16xf32>
        %add3A_387 = arith.addf %mul3A_384, %add3A_386 : vector<16xf32>
        %mul3A_388 = arith.constant 0.216410443 : f32
        %mul3A_389 = vector.broadcast %mul3A_388 : f32 to vector<16xf32>
        %mul3A_390 = arith.mulf %mul3A_389, %exp3A_380 : vector<16xf32>
        %add3A_391 = arith.constant -0.464072585 : f32
        %add3A_392 = vector.broadcast %add3A_391 : f32 to vector<16xf32>
        %add3A_393 = arith.addf %mul3A_390, %add3A_392 : vector<16xf32>
        %mul3A_394 = arith.constant -0.0548628531 : f32
        %mul3A_395 = vector.broadcast %mul3A_394 : f32 to vector<16xf32>
        %mul3A_396 = arith.mulf %mul3A_395, %mul3A_381 : vector<16xf32>
        %add3A_397 = arith.addf %mul3A_396, %add3A_393 : vector<16xf32>
        %mul3A_398 = arith.mulf %add3A_397, %mul3A_381 : vector<16xf32>
        %add3A_399 = arith.addf %mul3A_398, %add3A_387 : vector<16xf32>
        %max3A_400 = arith.constant 0.000000e+00 : f32
        %max3A_401 = vector.broadcast %max3A_400 : f32 to vector<16xf32>
        %max3A_402 = arith.maximumf %add3A_375, %max3A_401 : vector<16xf32>
        %add3A_403 = arith.addf %max3A_402, %add3A_399 : vector<16xf32>
        %add3A_404 = arith.addf %add3A_333, %add3A_368 : vector<16xf32>
        %add3A_405 = arith.addf %add3A_404, %add3A_403 : vector<16xf32>
        %div3A = arith.constant 1.000000e+00 : f32
        %div3A_406 = vector.broadcast %div3A : f32 to vector<16xf32>
        %div3A_407 = arith.divf %div3A_406, %add3A_405 : vector<16xf32>
        %ne3A = arith.constant 0 : i32
        %ne3A_408 = vector.broadcast %ne3A : i32 to vector<16xi32>
        %ne3A_409 = arith.cmpi ne, %shift_right_logical3A_279, %ne3A_408 : vector<16xi32>
        %mul3A_410 = arith.mulf %add3A_333, %div3A_407 : vector<16xf32>
        %select_n3A_411 = arith.select %ne3A_409, %mul3A_410, %scan3A_258 : vector<16xi1>, vector<16xf32>
        %mul3A_412 = arith.mulf %add3A_368, %div3A_407 : vector<16xf32>
        %select_n3A_413 = arith.select %ne3A_409, %mul3A_412, %scan3A_259 : vector<16xi1>, vector<16xf32>
        %mul3A_414 = arith.mulf %add3A_403, %div3A_407 : vector<16xf32>
        %select_n3A_415 = arith.select %ne3A_409, %mul3A_414, %scan3A_260 : vector<16xi1>, vector<16xf32>
        %get3A_416 = arith.index_cast %add3A_272 : i32 to index
        %get3A_417 = arith.constant 16 : index
        %get3A_418 = tpu.vector_load %arg7[%get3A_416, %get3A_417] {strides = array<i32>} : memref<96x64xi32, #tpu.memory_space<vmem>>, vector<16xi32>,
        %and3A_419 = arith.constant 127 : i32
        %and3A_420 = vector.broadcast %and3A_419 : i32 to vector<16xi32>
        %and3A_421 = arith.andi %get3A_418, %and3A_420 : vector<16xi32>
        %shift_right_logical3A_422 = arith.constant 7 : i32
        %shift_right_logical3A_423 = vector.broadcast %shift_right_logical3A_422 : i32 to vector<16xi32>
        %shift_right_logical3A_424 = arith.shrui %get3A_418, %shift_right_logical3A_423 : vector<16xi32>
        %eq3A_425 = vector.broadcast %mul3A_132 : i32 to vector<16xi32>
        %eq3A_426 = arith.cmpi eq, %and3A_421, %eq3A_425 : vector<16xi32>
        %gather3A_427 = tpu.vector_load_idx %arg6[%and3A_421, %add3A_118] : memref<72x64xf32, #tpu.memory_space<vmem>>[vector<16xi32>, vector<16xi32>], vector<16xf32>,
        %select_n3A_428 = arith.select %eq3A_426, %scan3A_261, %gather3A_427 : vector<16xi1>, vector<16xf32>
        %add3A_429 = arith.constant 1 : i32
        %add3A_430 = vector.broadcast %add3A_429 : i32 to vector<16xi32>
        %add3A_431 = arith.addi %and3A_421, %add3A_430 : vector<16xi32>
        %gather3A_432 = tpu.vector_load_idx %arg6[%add3A_431, %add3A_118] : memref<72x64xf32, #tpu.memory_space<vmem>>[vector<16xi32>, vector<16xi32>], vector<16xf32>,
        %select_n3A_433 = arith.select %eq3A_426, %scan3A_262, %gather3A_432 : vector<16xi1>, vector<16xf32>
        %add3A_434 = arith.constant 2 : i32
        %add3A_435 = vector.broadcast %add3A_434 : i32 to vector<16xi32>
        %add3A_436 = arith.addi %and3A_421, %add3A_435 : vector<16xi32>
        %gather3A_437 = tpu.vector_load_idx %arg6[%add3A_436, %add3A_118] : memref<72x64xf32, #tpu.memory_space<vmem>>[vector<16xi32>, vector<16xi32>], vector<16xf32>,
        %select_n3A_438 = arith.select %eq3A_426, %scan3A_263, %gather3A_437 : vector<16xi1>, vector<16xf32>
        %gather3A_439 = tpu.vector_load_idx %arg9[%shift_right_logical3A_424] : memref<24xf32, #tpu.memory_space<vmem>>[vector<16xi32>], vector<16xf32>,
        %gather3A_440 = tpu.vector_load_idx %arg10[%shift_right_logical3A_424] : memref<24xf32, #tpu.memory_space<vmem>>[vector<16xi32>], vector<16xf32>,
        %gather3A_441 = tpu.vector_load_idx %arg11[%shift_right_logical3A_424] : memref<24xf32, #tpu.memory_space<vmem>>[vector<16xi32>], vector<16xf32>,
        %gather3A_442 = tpu.vector_load_idx %arg12[%shift_right_logical3A_424] : memref<24xf32, #tpu.memory_space<vmem>>[vector<16xi32>], vector<16xf32>,
        %gather3A_443 = tpu.vector_load_idx %arg13[%shift_right_logical3A_424] : memref<24xf32, #tpu.memory_space<vmem>>[vector<16xi32>], vector<16xf32>,
        %gather3A_444 = tpu.vector_load_idx %arg14[%shift_right_logical3A_424] : memref<24xf32, #tpu.memory_space<vmem>>[vector<16xi32>], vector<16xf32>,
        %gather3A_445 = tpu.vector_load_idx %arg15[%shift_right_logical3A_424] : memref<24xf32, #tpu.memory_space<vmem>>[vector<16xi32>], vector<16xf32>,
        %gather3A_446 = tpu.vector_load_idx %arg16[%shift_right_logical3A_424] : memref<24xf32, #tpu.memory_space<vmem>>[vector<16xi32>], vector<16xf32>,
        %gather3A_447 = tpu.vector_load_idx %arg17[%shift_right_logical3A_424] : memref<24xf32, #tpu.memory_space<vmem>>[vector<16xi32>], vector<16xf32>,
        %gather3A_448 = tpu.vector_load_idx %arg18[%shift_right_logical3A_424] : memref<24xf32, #tpu.memory_space<vmem>>[vector<16xi32>], vector<16xf32>,
        %gather3A_449 = tpu.vector_load_idx %arg19[%shift_right_logical3A_424] : memref<24xf32, #tpu.memory_space<vmem>>[vector<16xi32>], vector<16xf32>,
        %gather3A_450 = tpu.vector_load_idx %arg20[%shift_right_logical3A_424] : memref<24xf32, #tpu.memory_space<vmem>>[vector<16xi32>], vector<16xf32>,
        %mul3A_451 = arith.mulf %gather3A_439, %select_n3A_428 : vector<16xf32>
        %mul3A_452 = arith.mulf %gather3A_440, %select_n3A_433 : vector<16xf32>
        %add3A_453 = arith.addf %mul3A_451, %mul3A_452 : vector<16xf32>
        %mul3A_454 = arith.mulf %gather3A_441, %select_n3A_438 : vector<16xf32>
        %add3A_455 = arith.addf %add3A_453, %mul3A_454 : vector<16xf32>
        %mul3A_456 = arith.mulf %scan3A_261, %add3A_455 : vector<16xf32>
        %add3A_457 = arith.addf %mul3A_456, %gather3A_448 : vector<16xf32>
        %abs3A_458 = math.absf %add3A_457 : vector<16xf32>
        %neg3A_459 = arith.constant 0.000000e+00 : f32
        %neg3A_460 = vector.broadcast %neg3A_459 : f32 to vector<16xf32>
        %neg3A_461 = arith.subf %neg3A_460, %abs3A_458 : vector<16xf32>
        %exp3A_462 = math.exp %neg3A_461 : vector<16xf32>
        %mul3A_463 = arith.mulf %exp3A_462, %exp3A_462 : vector<16xf32>
        %mul3A_464 = arith.constant 0.99542731 : f32
        %mul3A_465 = vector.broadcast %mul3A_464 : f32 to vector<16xf32>
        %mul3A_466 = arith.mulf %mul3A_465, %exp3A_462 : vector<16xf32>
        %add3A_467 = arith.constant 2.41512171E-4 : f32
        %add3A_468 = vector.broadcast %add3A_467 : f32 to vector<16xf32>
        %add3A_469 = arith.addf %mul3A_466, %add3A_468 : vector<16xf32>
        %mul3A_470 = arith.constant 0.216410443 : f32
        %mul3A_471 = vector.broadcast %mul3A_470 : f32 to vector<16xf32>
        %mul3A_472 = arith.mulf %mul3A_471, %exp3A_462 : vector<16xf32>
        %add3A_473 = arith.constant -0.464072585 : f32
        %add3A_474 = vector.broadcast %add3A_473 : f32 to vector<16xf32>
        %add3A_475 = arith.addf %mul3A_472, %add3A_474 : vector<16xf32>
        %mul3A_476 = arith.constant -0.0548628531 : f32
        %mul3A_477 = vector.broadcast %mul3A_476 : f32 to vector<16xf32>
        %mul3A_478 = arith.mulf %mul3A_477, %mul3A_463 : vector<16xf32>
        %add3A_479 = arith.addf %mul3A_478, %add3A_475 : vector<16xf32>
        %mul3A_480 = arith.mulf %add3A_479, %mul3A_463 : vector<16xf32>
        %add3A_481 = arith.addf %mul3A_480, %add3A_469 : vector<16xf32>
        %max3A_482 = arith.constant 0.000000e+00 : f32
        %max3A_483 = vector.broadcast %max3A_482 : f32 to vector<16xf32>
        %max3A_484 = arith.maximumf %add3A_457, %max3A_483 : vector<16xf32>
        %add3A_485 = arith.addf %max3A_484, %add3A_481 : vector<16xf32>
        %mul3A_486 = arith.mulf %gather3A_442, %select_n3A_428 : vector<16xf32>
        %mul3A_487 = arith.mulf %gather3A_443, %select_n3A_433 : vector<16xf32>
        %add3A_488 = arith.addf %mul3A_486, %mul3A_487 : vector<16xf32>
        %mul3A_489 = arith.mulf %gather3A_444, %select_n3A_438 : vector<16xf32>
        %add3A_490 = arith.addf %add3A_488, %mul3A_489 : vector<16xf32>
        %mul3A_491 = arith.mulf %scan3A_262, %add3A_490 : vector<16xf32>
        %add3A_492 = arith.addf %mul3A_491, %gather3A_449 : vector<16xf32>
        %abs3A_493 = math.absf %add3A_492 : vector<16xf32>
        %neg3A_494 = arith.constant 0.000000e+00 : f32
        %neg3A_495 = vector.broadcast %neg3A_494 : f32 to vector<16xf32>
        %neg3A_496 = arith.subf %neg3A_495, %abs3A_493 : vector<16xf32>
        %exp3A_497 = math.exp %neg3A_496 : vector<16xf32>
        %mul3A_498 = arith.mulf %exp3A_497, %exp3A_497 : vector<16xf32>
        %mul3A_499 = arith.constant 0.99542731 : f32
        %mul3A_500 = vector.broadcast %mul3A_499 : f32 to vector<16xf32>
        %mul3A_501 = arith.mulf %mul3A_500, %exp3A_497 : vector<16xf32>
        %add3A_502 = arith.constant 2.41512171E-4 : f32
        %add3A_503 = vector.broadcast %add3A_502 : f32 to vector<16xf32>
        %add3A_504 = arith.addf %mul3A_501, %add3A_503 : vector<16xf32>
        %mul3A_505 = arith.constant 0.216410443 : f32
        %mul3A_506 = vector.broadcast %mul3A_505 : f32 to vector<16xf32>
        %mul3A_507 = arith.mulf %mul3A_506, %exp3A_497 : vector<16xf32>
        %add3A_508 = arith.constant -0.464072585 : f32
        %add3A_509 = vector.broadcast %add3A_508 : f32 to vector<16xf32>
        %add3A_510 = arith.addf %mul3A_507, %add3A_509 : vector<16xf32>
        %mul3A_511 = arith.constant -0.0548628531 : f32
        %mul3A_512 = vector.broadcast %mul3A_511 : f32 to vector<16xf32>
        %mul3A_513 = arith.mulf %mul3A_512, %mul3A_498 : vector<16xf32>
        %add3A_514 = arith.addf %mul3A_513, %add3A_510 : vector<16xf32>
        %mul3A_515 = arith.mulf %add3A_514, %mul3A_498 : vector<16xf32>
        %add3A_516 = arith.addf %mul3A_515, %add3A_504 : vector<16xf32>
        %max3A_517 = arith.constant 0.000000e+00 : f32
        %max3A_518 = vector.broadcast %max3A_517 : f32 to vector<16xf32>
        %max3A_519 = arith.maximumf %add3A_492, %max3A_518 : vector<16xf32>
        %add3A_520 = arith.addf %max3A_519, %add3A_516 : vector<16xf32>
        %mul3A_521 = arith.mulf %gather3A_445, %select_n3A_428 : vector<16xf32>
        %mul3A_522 = arith.mulf %gather3A_446, %select_n3A_433 : vector<16xf32>
        %add3A_523 = arith.addf %mul3A_521, %mul3A_522 : vector<16xf32>
        %mul3A_524 = arith.mulf %gather3A_447, %select_n3A_438 : vector<16xf32>
        %add3A_525 = arith.addf %add3A_523, %mul3A_524 : vector<16xf32>
        %mul3A_526 = arith.mulf %scan3A_263, %add3A_525 : vector<16xf32>
        %add3A_527 = arith.addf %mul3A_526, %gather3A_450 : vector<16xf32>
        %abs3A_528 = math.absf %add3A_527 : vector<16xf32>
        %neg3A_529 = arith.constant 0.000000e+00 : f32
        %neg3A_530 = vector.broadcast %neg3A_529 : f32 to vector<16xf32>
        %neg3A_531 = arith.subf %neg3A_530, %abs3A_528 : vector<16xf32>
        %exp3A_532 = math.exp %neg3A_531 : vector<16xf32>
        %mul3A_533 = arith.mulf %exp3A_532, %exp3A_532 : vector<16xf32>
        %mul3A_534 = arith.constant 0.99542731 : f32
        %mul3A_535 = vector.broadcast %mul3A_534 : f32 to vector<16xf32>
        %mul3A_536 = arith.mulf %mul3A_535, %exp3A_532 : vector<16xf32>
        %add3A_537 = arith.constant 2.41512171E-4 : f32
        %add3A_538 = vector.broadcast %add3A_537 : f32 to vector<16xf32>
        %add3A_539 = arith.addf %mul3A_536, %add3A_538 : vector<16xf32>
        %mul3A_540 = arith.constant 0.216410443 : f32
        %mul3A_541 = vector.broadcast %mul3A_540 : f32 to vector<16xf32>
        %mul3A_542 = arith.mulf %mul3A_541, %exp3A_532 : vector<16xf32>
        %add3A_543 = arith.constant -0.464072585 : f32
        %add3A_544 = vector.broadcast %add3A_543 : f32 to vector<16xf32>
        %add3A_545 = arith.addf %mul3A_542, %add3A_544 : vector<16xf32>
        %mul3A_546 = arith.constant -0.0548628531 : f32
        %mul3A_547 = vector.broadcast %mul3A_546 : f32 to vector<16xf32>
        %mul3A_548 = arith.mulf %mul3A_547, %mul3A_533 : vector<16xf32>
        %add3A_549 = arith.addf %mul3A_548, %add3A_545 : vector<16xf32>
        %mul3A_550 = arith.mulf %add3A_549, %mul3A_533 : vector<16xf32>
        %add3A_551 = arith.addf %mul3A_550, %add3A_539 : vector<16xf32>
        %max3A_552 = arith.constant 0.000000e+00 : f32
        %max3A_553 = vector.broadcast %max3A_552 : f32 to vector<16xf32>
        %max3A_554 = arith.maximumf %add3A_527, %max3A_553 : vector<16xf32>
        %add3A_555 = arith.addf %max3A_554, %add3A_551 : vector<16xf32>
        %add3A_556 = arith.addf %add3A_485, %add3A_520 : vector<16xf32>
        %add3A_557 = arith.addf %add3A_556, %add3A_555 : vector<16xf32>
        %div3A_558 = arith.constant 1.000000e+00 : f32
        %div3A_559 = vector.broadcast %div3A_558 : f32 to vector<16xf32>
        %div3A_560 = arith.divf %div3A_559, %add3A_557 : vector<16xf32>
        %ne3A_561 = arith.constant 0 : i32
        %ne3A_562 = vector.broadcast %ne3A_561 : i32 to vector<16xi32>
        %ne3A_563 = arith.cmpi ne, %shift_right_logical3A_424, %ne3A_562 : vector<16xi32>
        %mul3A_564 = arith.mulf %add3A_485, %div3A_560 : vector<16xf32>
        %select_n3A_565 = arith.select %ne3A_563, %mul3A_564, %scan3A_261 : vector<16xi1>, vector<16xf32>
        %mul3A_566 = arith.mulf %add3A_520, %div3A_560 : vector<16xf32>
        %select_n3A_567 = arith.select %ne3A_563, %mul3A_566, %scan3A_262 : vector<16xi1>, vector<16xf32>
        %mul3A_568 = arith.mulf %add3A_555, %div3A_560 : vector<16xf32>
        %select_n3A_569 = arith.select %ne3A_563, %mul3A_568, %scan3A_263 : vector<16xi1>, vector<16xf32>
        %get3A_570 = arith.index_cast %add3A_272 : i32 to index
        %get3A_571 = arith.constant 32 : index
        %get3A_572 = tpu.vector_load %arg7[%get3A_570, %get3A_571] {strides = array<i32>} : memref<96x64xi32, #tpu.memory_space<vmem>>, vector<16xi32>,
        %and3A_573 = arith.constant 127 : i32
        %and3A_574 = vector.broadcast %and3A_573 : i32 to vector<16xi32>
        %and3A_575 = arith.andi %get3A_572, %and3A_574 : vector<16xi32>
        %shift_right_logical3A_576 = arith.constant 7 : i32
        %shift_right_logical3A_577 = vector.broadcast %shift_right_logical3A_576 : i32 to vector<16xi32>
        %shift_right_logical3A_578 = arith.shrui %get3A_572, %shift_right_logical3A_577 : vector<16xi32>
        %eq3A_579 = vector.broadcast %mul3A_132 : i32 to vector<16xi32>
        %eq3A_580 = arith.cmpi eq, %and3A_575, %eq3A_579 : vector<16xi32>
        %gather3A_581 = tpu.vector_load_idx %arg6[%and3A_575, %add3A_121] : memref<72x64xf32, #tpu.memory_space<vmem>>[vector<16xi32>, vector<16xi32>], vector<16xf32>,
        %select_n3A_582 = arith.select %eq3A_580, %scan3A_264, %gather3A_581 : vector<16xi1>, vector<16xf32>
        %add3A_583 = arith.constant 1 : i32
        %add3A_584 = vector.broadcast %add3A_583 : i32 to vector<16xi32>
        %add3A_585 = arith.addi %and3A_575, %add3A_584 : vector<16xi32>
        %gather3A_586 = tpu.vector_load_idx %arg6[%add3A_585, %add3A_121] : memref<72x64xf32, #tpu.memory_space<vmem>>[vector<16xi32>, vector<16xi32>], vector<16xf32>,
        %select_n3A_587 = arith.select %eq3A_580, %scan3A_265, %gather3A_586 : vector<16xi1>, vector<16xf32>
        %add3A_588 = arith.constant 2 : i32
        %add3A_589 = vector.broadcast %add3A_588 : i32 to vector<16xi32>
        %add3A_590 = arith.addi %and3A_575, %add3A_589 : vector<16xi32>
        %gather3A_591 = tpu.vector_load_idx %arg6[%add3A_590, %add3A_121] : memref<72x64xf32, #tpu.memory_space<vmem>>[vector<16xi32>, vector<16xi32>], vector<16xf32>,
        %select_n3A_592 = arith.select %eq3A_580, %scan3A_266, %gather3A_591 : vector<16xi1>, vector<16xf32>
        %gather3A_593 = tpu.vector_load_idx %arg9[%shift_right_logical3A_578] : memref<24xf32, #tpu.memory_space<vmem>>[vector<16xi32>], vector<16xf32>,
        %gather3A_594 = tpu.vector_load_idx %arg10[%shift_right_logical3A_578] : memref<24xf32, #tpu.memory_space<vmem>>[vector<16xi32>], vector<16xf32>,
        %gather3A_595 = tpu.vector_load_idx %arg11[%shift_right_logical3A_578] : memref<24xf32, #tpu.memory_space<vmem>>[vector<16xi32>], vector<16xf32>,
        %gather3A_596 = tpu.vector_load_idx %arg12[%shift_right_logical3A_578] : memref<24xf32, #tpu.memory_space<vmem>>[vector<16xi32>], vector<16xf32>,
        %gather3A_597 = tpu.vector_load_idx %arg13[%shift_right_logical3A_578] : memref<24xf32, #tpu.memory_space<vmem>>[vector<16xi32>], vector<16xf32>,
        %gather3A_598 = tpu.vector_load_idx %arg14[%shift_right_logical3A_578] : memref<24xf32, #tpu.memory_space<vmem>>[vector<16xi32>], vector<16xf32>,
        %gather3A_599 = tpu.vector_load_idx %arg15[%shift_right_logical3A_578] : memref<24xf32, #tpu.memory_space<vmem>>[vector<16xi32>], vector<16xf32>,
        %gather3A_600 = tpu.vector_load_idx %arg16[%shift_right_logical3A_578] : memref<24xf32, #tpu.memory_space<vmem>>[vector<16xi32>], vector<16xf32>,
        %gather3A_601 = tpu.vector_load_idx %arg17[%shift_right_logical3A_578] : memref<24xf32, #tpu.memory_space<vmem>>[vector<16xi32>], vector<16xf32>,
        %gather3A_602 = tpu.vector_load_idx %arg18[%shift_right_logical3A_578] : memref<24xf32, #tpu.memory_space<vmem>>[vector<16xi32>], vector<16xf32>,
        %gather3A_603 = tpu.vector_load_idx %arg19[%shift_right_logical3A_578] : memref<24xf32, #tpu.memory_space<vmem>>[vector<16xi32>], vector<16xf32>,
        %gather3A_604 = tpu.vector_load_idx %arg20[%shift_right_logical3A_578] : memref<24xf32, #tpu.memory_space<vmem>>[vector<16xi32>], vector<16xf32>,
        %mul3A_605 = arith.mulf %gather3A_593, %select_n3A_582 : vector<16xf32>
        %mul3A_606 = arith.mulf %gather3A_594, %select_n3A_587 : vector<16xf32>
        %add3A_607 = arith.addf %mul3A_605, %mul3A_606 : vector<16xf32>
        %mul3A_608 = arith.mulf %gather3A_595, %select_n3A_592 : vector<16xf32>
        %add3A_609 = arith.addf %add3A_607, %mul3A_608 : vector<16xf32>
        %mul3A_610 = arith.mulf %scan3A_264, %add3A_609 : vector<16xf32>
        %add3A_611 = arith.addf %mul3A_610, %gather3A_602 : vector<16xf32>
        %abs3A_612 = math.absf %add3A_611 : vector<16xf32>
        %neg3A_613 = arith.constant 0.000000e+00 : f32
        %neg3A_614 = vector.broadcast %neg3A_613 : f32 to vector<16xf32>
        %neg3A_615 = arith.subf %neg3A_614, %abs3A_612 : vector<16xf32>
        %exp3A_616 = math.exp %neg3A_615 : vector<16xf32>
        %mul3A_617 = arith.mulf %exp3A_616, %exp3A_616 : vector<16xf32>
        %mul3A_618 = arith.constant 0.99542731 : f32
        %mul3A_619 = vector.broadcast %mul3A_618 : f32 to vector<16xf32>
        %mul3A_620 = arith.mulf %mul3A_619, %exp3A_616 : vector<16xf32>
        %add3A_621 = arith.constant 2.41512171E-4 : f32
        %add3A_622 = vector.broadcast %add3A_621 : f32 to vector<16xf32>
        %add3A_623 = arith.addf %mul3A_620, %add3A_622 : vector<16xf32>
        %mul3A_624 = arith.constant 0.216410443 : f32
        %mul3A_625 = vector.broadcast %mul3A_624 : f32 to vector<16xf32>
        %mul3A_626 = arith.mulf %mul3A_625, %exp3A_616 : vector<16xf32>
        %add3A_627 = arith.constant -0.464072585 : f32
        %add3A_628 = vector.broadcast %add3A_627 : f32 to vector<16xf32>
        %add3A_629 = arith.addf %mul3A_626, %add3A_628 : vector<16xf32>
        %mul3A_630 = arith.constant -0.0548628531 : f32
        %mul3A_631 = vector.broadcast %mul3A_630 : f32 to vector<16xf32>
        %mul3A_632 = arith.mulf %mul3A_631, %mul3A_617 : vector<16xf32>
        %add3A_633 = arith.addf %mul3A_632, %add3A_629 : vector<16xf32>
        %mul3A_634 = arith.mulf %add3A_633, %mul3A_617 : vector<16xf32>
        %add3A_635 = arith.addf %mul3A_634, %add3A_623 : vector<16xf32>
        %max3A_636 = arith.constant 0.000000e+00 : f32
        %max3A_637 = vector.broadcast %max3A_636 : f32 to vector<16xf32>
        %max3A_638 = arith.maximumf %add3A_611, %max3A_637 : vector<16xf32>
        %add3A_639 = arith.addf %max3A_638, %add3A_635 : vector<16xf32>
        %mul3A_640 = arith.mulf %gather3A_596, %select_n3A_582 : vector<16xf32>
        %mul3A_641 = arith.mulf %gather3A_597, %select_n3A_587 : vector<16xf32>
        %add3A_642 = arith.addf %mul3A_640, %mul3A_641 : vector<16xf32>
        %mul3A_643 = arith.mulf %gather3A_598, %select_n3A_592 : vector<16xf32>
        %add3A_644 = arith.addf %add3A_642, %mul3A_643 : vector<16xf32>
        %mul3A_645 = arith.mulf %scan3A_265, %add3A_644 : vector<16xf32>
        %add3A_646 = arith.addf %mul3A_645, %gather3A_603 : vector<16xf32>
        %abs3A_647 = math.absf %add3A_646 : vector<16xf32>
        %neg3A_648 = arith.constant 0.000000e+00 : f32
        %neg3A_649 = vector.broadcast %neg3A_648 : f32 to vector<16xf32>
        %neg3A_650 = arith.subf %neg3A_649, %abs3A_647 : vector<16xf32>
        %exp3A_651 = math.exp %neg3A_650 : vector<16xf32>
        %mul3A_652 = arith.mulf %exp3A_651, %exp3A_651 : vector<16xf32>
        %mul3A_653 = arith.constant 0.99542731 : f32
        %mul3A_654 = vector.broadcast %mul3A_653 : f32 to vector<16xf32>
        %mul3A_655 = arith.mulf %mul3A_654, %exp3A_651 : vector<16xf32>
        %add3A_656 = arith.constant 2.41512171E-4 : f32
        %add3A_657 = vector.broadcast %add3A_656 : f32 to vector<16xf32>
        %add3A_658 = arith.addf %mul3A_655, %add3A_657 : vector<16xf32>
        %mul3A_659 = arith.constant 0.216410443 : f32
        %mul3A_660 = vector.broadcast %mul3A_659 : f32 to vector<16xf32>
        %mul3A_661 = arith.mulf %mul3A_660, %exp3A_651 : vector<16xf32>
        %add3A_662 = arith.constant -0.464072585 : f32
        %add3A_663 = vector.broadcast %add3A_662 : f32 to vector<16xf32>
        %add3A_664 = arith.addf %mul3A_661, %add3A_663 : vector<16xf32>
        %mul3A_665 = arith.constant -0.0548628531 : f32
        %mul3A_666 = vector.broadcast %mul3A_665 : f32 to vector<16xf32>
        %mul3A_667 = arith.mulf %mul3A_666, %mul3A_652 : vector<16xf32>
        %add3A_668 = arith.addf %mul3A_667, %add3A_664 : vector<16xf32>
        %mul3A_669 = arith.mulf %add3A_668, %mul3A_652 : vector<16xf32>
        %add3A_670 = arith.addf %mul3A_669, %add3A_658 : vector<16xf32>
        %max3A_671 = arith.constant 0.000000e+00 : f32
        %max3A_672 = vector.broadcast %max3A_671 : f32 to vector<16xf32>
        %max3A_673 = arith.maximumf %add3A_646, %max3A_672 : vector<16xf32>
        %add3A_674 = arith.addf %max3A_673, %add3A_670 : vector<16xf32>
        %mul3A_675 = arith.mulf %gather3A_599, %select_n3A_582 : vector<16xf32>
        %mul3A_676 = arith.mulf %gather3A_600, %select_n3A_587 : vector<16xf32>
        %add3A_677 = arith.addf %mul3A_675, %mul3A_676 : vector<16xf32>
        %mul3A_678 = arith.mulf %gather3A_601, %select_n3A_592 : vector<16xf32>
        %add3A_679 = arith.addf %add3A_677, %mul3A_678 : vector<16xf32>
        %mul3A_680 = arith.mulf %scan3A_266, %add3A_679 : vector<16xf32>
        %add3A_681 = arith.addf %mul3A_680, %gather3A_604 : vector<16xf32>
        %abs3A_682 = math.absf %add3A_681 : vector<16xf32>
        %neg3A_683 = arith.constant 0.000000e+00 : f32
        %neg3A_684 = vector.broadcast %neg3A_683 : f32 to vector<16xf32>
        %neg3A_685 = arith.subf %neg3A_684, %abs3A_682 : vector<16xf32>
        %exp3A_686 = math.exp %neg3A_685 : vector<16xf32>
        %mul3A_687 = arith.mulf %exp3A_686, %exp3A_686 : vector<16xf32>
        %mul3A_688 = arith.constant 0.99542731 : f32
        %mul3A_689 = vector.broadcast %mul3A_688 : f32 to vector<16xf32>
        %mul3A_690 = arith.mulf %mul3A_689, %exp3A_686 : vector<16xf32>
        %add3A_691 = arith.constant 2.41512171E-4 : f32
        %add3A_692 = vector.broadcast %add3A_691 : f32 to vector<16xf32>
        %add3A_693 = arith.addf %mul3A_690, %add3A_692 : vector<16xf32>
        %mul3A_694 = arith.constant 0.216410443 : f32
        %mul3A_695 = vector.broadcast %mul3A_694 : f32 to vector<16xf32>
        %mul3A_696 = arith.mulf %mul3A_695, %exp3A_686 : vector<16xf32>
        %add3A_697 = arith.constant -0.464072585 : f32
        %add3A_698 = vector.broadcast %add3A_697 : f32 to vector<16xf32>
        %add3A_699 = arith.addf %mul3A_696, %add3A_698 : vector<16xf32>
        %mul3A_700 = arith.constant -0.0548628531 : f32
        %mul3A_701 = vector.broadcast %mul3A_700 : f32 to vector<16xf32>
        %mul3A_702 = arith.mulf %mul3A_701, %mul3A_687 : vector<16xf32>
        %add3A_703 = arith.addf %mul3A_702, %add3A_699 : vector<16xf32>
        %mul3A_704 = arith.mulf %add3A_703, %mul3A_687 : vector<16xf32>
        %add3A_705 = arith.addf %mul3A_704, %add3A_693 : vector<16xf32>
        %max3A_706 = arith.constant 0.000000e+00 : f32
        %max3A_707 = vector.broadcast %max3A_706 : f32 to vector<16xf32>
        %max3A_708 = arith.maximumf %add3A_681, %max3A_707 : vector<16xf32>
        %add3A_709 = arith.addf %max3A_708, %add3A_705 : vector<16xf32>
        %add3A_710 = arith.addf %add3A_639, %add3A_674 : vector<16xf32>
        %add3A_711 = arith.addf %add3A_710, %add3A_709 : vector<16xf32>
        %div3A_712 = arith.constant 1.000000e+00 : f32
        %div3A_713 = vector.broadcast %div3A_712 : f32 to vector<16xf32>
        %div3A_714 = arith.divf %div3A_713, %add3A_711 : vector<16xf32>
        %ne3A_715 = arith.constant 0 : i32
        %ne3A_716 = vector.broadcast %ne3A_715 : i32 to vector<16xi32>
        %ne3A_717 = arith.cmpi ne, %shift_right_logical3A_578, %ne3A_716 : vector<16xi32>
        %mul3A_718 = arith.mulf %add3A_639, %div3A_714 : vector<16xf32>
        %select_n3A_719 = arith.select %ne3A_717, %mul3A_718, %scan3A_264 : vector<16xi1>, vector<16xf32>
        %mul3A_720 = arith.mulf %add3A_674, %div3A_714 : vector<16xf32>
        %select_n3A_721 = arith.select %ne3A_717, %mul3A_720, %scan3A_265 : vector<16xi1>, vector<16xf32>
        %mul3A_722 = arith.mulf %add3A_709, %div3A_714 : vector<16xf32>
        %select_n3A_723 = arith.select %ne3A_717, %mul3A_722, %scan3A_266 : vector<16xi1>, vector<16xf32>
        %get3A_724 = arith.index_cast %add3A_272 : i32 to index
        %get3A_725 = arith.constant 48 : index
        %get3A_726 = tpu.vector_load %arg7[%get3A_724, %get3A_725] {strides = array<i32>} : memref<96x64xi32, #tpu.memory_space<vmem>>, vector<16xi32>,
        %and3A_727 = arith.constant 127 : i32
        %and3A_728 = vector.broadcast %and3A_727 : i32 to vector<16xi32>
        %and3A_729 = arith.andi %get3A_726, %and3A_728 : vector<16xi32>
        %shift_right_logical3A_730 = arith.constant 7 : i32
        %shift_right_logical3A_731 = vector.broadcast %shift_right_logical3A_730 : i32 to vector<16xi32>
        %shift_right_logical3A_732 = arith.shrui %get3A_726, %shift_right_logical3A_731 : vector<16xi32>
        %eq3A_733 = vector.broadcast %mul3A_132 : i32 to vector<16xi32>
        %eq3A_734 = arith.cmpi eq, %and3A_729, %eq3A_733 : vector<16xi32>
        %gather3A_735 = tpu.vector_load_idx %arg6[%and3A_729, %add3A_124] : memref<72x64xf32, #tpu.memory_space<vmem>>[vector<16xi32>, vector<16xi32>], vector<16xf32>,
        %select_n3A_736 = arith.select %eq3A_734, %scan3A_267, %gather3A_735 : vector<16xi1>, vector<16xf32>
        %add3A_737 = arith.constant 1 : i32
        %add3A_738 = vector.broadcast %add3A_737 : i32 to vector<16xi32>
        %add3A_739 = arith.addi %and3A_729, %add3A_738 : vector<16xi32>
        %gather3A_740 = tpu.vector_load_idx %arg6[%add3A_739, %add3A_124] : memref<72x64xf32, #tpu.memory_space<vmem>>[vector<16xi32>, vector<16xi32>], vector<16xf32>,
        %select_n3A_741 = arith.select %eq3A_734, %scan3A_268, %gather3A_740 : vector<16xi1>, vector<16xf32>
        %add3A_742 = arith.constant 2 : i32
        %add3A_743 = vector.broadcast %add3A_742 : i32 to vector<16xi32>
        %add3A_744 = arith.addi %and3A_729, %add3A_743 : vector<16xi32>
        %gather3A_745 = tpu.vector_load_idx %arg6[%add3A_744, %add3A_124] : memref<72x64xf32, #tpu.memory_space<vmem>>[vector<16xi32>, vector<16xi32>], vector<16xf32>,
        %select_n3A_746 = arith.select %eq3A_734, %scan3A_269, %gather3A_745 : vector<16xi1>, vector<16xf32>
        %gather3A_747 = tpu.vector_load_idx %arg9[%shift_right_logical3A_732] : memref<24xf32, #tpu.memory_space<vmem>>[vector<16xi32>], vector<16xf32>,
        %gather3A_748 = tpu.vector_load_idx %arg10[%shift_right_logical3A_732] : memref<24xf32, #tpu.memory_space<vmem>>[vector<16xi32>], vector<16xf32>,
        %gather3A_749 = tpu.vector_load_idx %arg11[%shift_right_logical3A_732] : memref<24xf32, #tpu.memory_space<vmem>>[vector<16xi32>], vector<16xf32>,
        %gather3A_750 = tpu.vector_load_idx %arg12[%shift_right_logical3A_732] : memref<24xf32, #tpu.memory_space<vmem>>[vector<16xi32>], vector<16xf32>,
        %gather3A_751 = tpu.vector_load_idx %arg13[%shift_right_logical3A_732] : memref<24xf32, #tpu.memory_space<vmem>>[vector<16xi32>], vector<16xf32>,
        %gather3A_752 = tpu.vector_load_idx %arg14[%shift_right_logical3A_732] : memref<24xf32, #tpu.memory_space<vmem>>[vector<16xi32>], vector<16xf32>,
        %gather3A_753 = tpu.vector_load_idx %arg15[%shift_right_logical3A_732] : memref<24xf32, #tpu.memory_space<vmem>>[vector<16xi32>], vector<16xf32>,
        %gather3A_754 = tpu.vector_load_idx %arg16[%shift_right_logical3A_732] : memref<24xf32, #tpu.memory_space<vmem>>[vector<16xi32>], vector<16xf32>,
        %gather3A_755 = tpu.vector_load_idx %arg17[%shift_right_logical3A_732] : memref<24xf32, #tpu.memory_space<vmem>>[vector<16xi32>], vector<16xf32>,
        %gather3A_756 = tpu.vector_load_idx %arg18[%shift_right_logical3A_732] : memref<24xf32, #tpu.memory_space<vmem>>[vector<16xi32>], vector<16xf32>,
        %gather3A_757 = tpu.vector_load_idx %arg19[%shift_right_logical3A_732] : memref<24xf32, #tpu.memory_space<vmem>>[vector<16xi32>], vector<16xf32>,
        %gather3A_758 = tpu.vector_load_idx %arg20[%shift_right_logical3A_732] : memref<24xf32, #tpu.memory_space<vmem>>[vector<16xi32>], vector<16xf32>,
        %mul3A_759 = arith.mulf %gather3A_747, %select_n3A_736 : vector<16xf32>
        %mul3A_760 = arith.mulf %gather3A_748, %select_n3A_741 : vector<16xf32>
        %add3A_761 = arith.addf %mul3A_759, %mul3A_760 : vector<16xf32>
        %mul3A_762 = arith.mulf %gather3A_749, %select_n3A_746 : vector<16xf32>
        %add3A_763 = arith.addf %add3A_761, %mul3A_762 : vector<16xf32>
        %mul3A_764 = arith.mulf %scan3A_267, %add3A_763 : vector<16xf32>
        %add3A_765 = arith.addf %mul3A_764, %gather3A_756 : vector<16xf32>
        %abs3A_766 = math.absf %add3A_765 : vector<16xf32>
        %neg3A_767 = arith.constant 0.000000e+00 : f32
        %neg3A_768 = vector.broadcast %neg3A_767 : f32 to vector<16xf32>
        %neg3A_769 = arith.subf %neg3A_768, %abs3A_766 : vector<16xf32>
        %exp3A_770 = math.exp %neg3A_769 : vector<16xf32>
        %mul3A_771 = arith.mulf %exp3A_770, %exp3A_770 : vector<16xf32>
        %mul3A_772 = arith.constant 0.99542731 : f32
        %mul3A_773 = vector.broadcast %mul3A_772 : f32 to vector<16xf32>
        %mul3A_774 = arith.mulf %mul3A_773, %exp3A_770 : vector<16xf32>
        %add3A_775 = arith.constant 2.41512171E-4 : f32
        %add3A_776 = vector.broadcast %add3A_775 : f32 to vector<16xf32>
        %add3A_777 = arith.addf %mul3A_774, %add3A_776 : vector<16xf32>
        %mul3A_778 = arith.constant 0.216410443 : f32
        %mul3A_779 = vector.broadcast %mul3A_778 : f32 to vector<16xf32>
        %mul3A_780 = arith.mulf %mul3A_779, %exp3A_770 : vector<16xf32>
        %add3A_781 = arith.constant -0.464072585 : f32
        %add3A_782 = vector.broadcast %add3A_781 : f32 to vector<16xf32>
        %add3A_783 = arith.addf %mul3A_780, %add3A_782 : vector<16xf32>
        %mul3A_784 = arith.constant -0.0548628531 : f32
        %mul3A_785 = vector.broadcast %mul3A_784 : f32 to vector<16xf32>
        %mul3A_786 = arith.mulf %mul3A_785, %mul3A_771 : vector<16xf32>
        %add3A_787 = arith.addf %mul3A_786, %add3A_783 : vector<16xf32>
        %mul3A_788 = arith.mulf %add3A_787, %mul3A_771 : vector<16xf32>
        %add3A_789 = arith.addf %mul3A_788, %add3A_777 : vector<16xf32>
        %max3A_790 = arith.constant 0.000000e+00 : f32
        %max3A_791 = vector.broadcast %max3A_790 : f32 to vector<16xf32>
        %max3A_792 = arith.maximumf %add3A_765, %max3A_791 : vector<16xf32>
        %add3A_793 = arith.addf %max3A_792, %add3A_789 : vector<16xf32>
        %mul3A_794 = arith.mulf %gather3A_750, %select_n3A_736 : vector<16xf32>
        %mul3A_795 = arith.mulf %gather3A_751, %select_n3A_741 : vector<16xf32>
        %add3A_796 = arith.addf %mul3A_794, %mul3A_795 : vector<16xf32>
        %mul3A_797 = arith.mulf %gather3A_752, %select_n3A_746 : vector<16xf32>
        %add3A_798 = arith.addf %add3A_796, %mul3A_797 : vector<16xf32>
        %mul3A_799 = arith.mulf %scan3A_268, %add3A_798 : vector<16xf32>
        %add3A_800 = arith.addf %mul3A_799, %gather3A_757 : vector<16xf32>
        %abs3A_801 = math.absf %add3A_800 : vector<16xf32>
        %neg3A_802 = arith.constant 0.000000e+00 : f32
        %neg3A_803 = vector.broadcast %neg3A_802 : f32 to vector<16xf32>
        %neg3A_804 = arith.subf %neg3A_803, %abs3A_801 : vector<16xf32>
        %exp3A_805 = math.exp %neg3A_804 : vector<16xf32>
        %mul3A_806 = arith.mulf %exp3A_805, %exp3A_805 : vector<16xf32>
        %mul3A_807 = arith.constant 0.99542731 : f32
        %mul3A_808 = vector.broadcast %mul3A_807 : f32 to vector<16xf32>
        %mul3A_809 = arith.mulf %mul3A_808, %exp3A_805 : vector<16xf32>
        %add3A_810 = arith.constant 2.41512171E-4 : f32
        %add3A_811 = vector.broadcast %add3A_810 : f32 to vector<16xf32>
        %add3A_812 = arith.addf %mul3A_809, %add3A_811 : vector<16xf32>
        %mul3A_813 = arith.constant 0.216410443 : f32
        %mul3A_814 = vector.broadcast %mul3A_813 : f32 to vector<16xf32>
        %mul3A_815 = arith.mulf %mul3A_814, %exp3A_805 : vector<16xf32>
        %add3A_816 = arith.constant -0.464072585 : f32
        %add3A_817 = vector.broadcast %add3A_816 : f32 to vector<16xf32>
        %add3A_818 = arith.addf %mul3A_815, %add3A_817 : vector<16xf32>
        %mul3A_819 = arith.constant -0.0548628531 : f32
        %mul3A_820 = vector.broadcast %mul3A_819 : f32 to vector<16xf32>
        %mul3A_821 = arith.mulf %mul3A_820, %mul3A_806 : vector<16xf32>
        %add3A_822 = arith.addf %mul3A_821, %add3A_818 : vector<16xf32>
        %mul3A_823 = arith.mulf %add3A_822, %mul3A_806 : vector<16xf32>
        %add3A_824 = arith.addf %mul3A_823, %add3A_812 : vector<16xf32>
        %max3A_825 = arith.constant 0.000000e+00 : f32
        %max3A_826 = vector.broadcast %max3A_825 : f32 to vector<16xf32>
        %max3A_827 = arith.maximumf %add3A_800, %max3A_826 : vector<16xf32>
        %add3A_828 = arith.addf %max3A_827, %add3A_824 : vector<16xf32>
        %mul3A_829 = arith.mulf %gather3A_753, %select_n3A_736 : vector<16xf32>
        %mul3A_830 = arith.mulf %gather3A_754, %select_n3A_741 : vector<16xf32>
        %add3A_831 = arith.addf %mul3A_829, %mul3A_830 : vector<16xf32>
        %mul3A_832 = arith.mulf %gather3A_755, %select_n3A_746 : vector<16xf32>
        %add3A_833 = arith.addf %add3A_831, %mul3A_832 : vector<16xf32>
        %mul3A_834 = arith.mulf %scan3A_269, %add3A_833 : vector<16xf32>
        %add3A_835 = arith.addf %mul3A_834, %gather3A_758 : vector<16xf32>
        %abs3A_836 = math.absf %add3A_835 : vector<16xf32>
        %neg3A_837 = arith.constant 0.000000e+00 : f32
        %neg3A_838 = vector.broadcast %neg3A_837 : f32 to vector<16xf32>
        %neg3A_839 = arith.subf %neg3A_838, %abs3A_836 : vector<16xf32>
        %exp3A_840 = math.exp %neg3A_839 : vector<16xf32>
        %mul3A_841 = arith.mulf %exp3A_840, %exp3A_840 : vector<16xf32>
        %mul3A_842 = arith.constant 0.99542731 : f32
        %mul3A_843 = vector.broadcast %mul3A_842 : f32 to vector<16xf32>
        %mul3A_844 = arith.mulf %mul3A_843, %exp3A_840 : vector<16xf32>
        %add3A_845 = arith.constant 2.41512171E-4 : f32
        %add3A_846 = vector.broadcast %add3A_845 : f32 to vector<16xf32>
        %add3A_847 = arith.addf %mul3A_844, %add3A_846 : vector<16xf32>
        %mul3A_848 = arith.constant 0.216410443 : f32
        %mul3A_849 = vector.broadcast %mul3A_848 : f32 to vector<16xf32>
        %mul3A_850 = arith.mulf %mul3A_849, %exp3A_840 : vector<16xf32>
        %add3A_851 = arith.constant -0.464072585 : f32
        %add3A_852 = vector.broadcast %add3A_851 : f32 to vector<16xf32>
        %add3A_853 = arith.addf %mul3A_850, %add3A_852 : vector<16xf32>
        %mul3A_854 = arith.constant -0.0548628531 : f32
        %mul3A_855 = vector.broadcast %mul3A_854 : f32 to vector<16xf32>
        %mul3A_856 = arith.mulf %mul3A_855, %mul3A_841 : vector<16xf32>
        %add3A_857 = arith.addf %mul3A_856, %add3A_853 : vector<16xf32>
        %mul3A_858 = arith.mulf %add3A_857, %mul3A_841 : vector<16xf32>
        %add3A_859 = arith.addf %mul3A_858, %add3A_847 : vector<16xf32>
        %max3A_860 = arith.constant 0.000000e+00 : f32
        %max3A_861 = vector.broadcast %max3A_860 : f32 to vector<16xf32>
        %max3A_862 = arith.maximumf %add3A_835, %max3A_861 : vector<16xf32>
        %add3A_863 = arith.addf %max3A_862, %add3A_859 : vector<16xf32>
        %add3A_864 = arith.addf %add3A_793, %add3A_828 : vector<16xf32>
        %add3A_865 = arith.addf %add3A_864, %add3A_863 : vector<16xf32>
        %div3A_866 = arith.constant 1.000000e+00 : f32
        %div3A_867 = vector.broadcast %div3A_866 : f32 to vector<16xf32>
        %div3A_868 = arith.divf %div3A_867, %add3A_865 : vector<16xf32>
        %ne3A_869 = arith.constant 0 : i32
        %ne3A_870 = vector.broadcast %ne3A_869 : i32 to vector<16xi32>
        %ne3A_871 = arith.cmpi ne, %shift_right_logical3A_732, %ne3A_870 : vector<16xi32>
        %mul3A_872 = arith.mulf %add3A_793, %div3A_868 : vector<16xf32>
        %select_n3A_873 = arith.select %ne3A_871, %mul3A_872, %scan3A_267 : vector<16xi1>, vector<16xf32>
        %mul3A_874 = arith.mulf %add3A_828, %div3A_868 : vector<16xf32>
        %select_n3A_875 = arith.select %ne3A_871, %mul3A_874, %scan3A_268 : vector<16xi1>, vector<16xf32>
        %mul3A_876 = arith.mulf %add3A_863, %div3A_868 : vector<16xf32>
        %select_n3A_877 = arith.select %ne3A_871, %mul3A_876, %scan3A_269 : vector<16xi1>, vector<16xf32>
        scf.yield %select_n3A_411, %select_n3A_413, %select_n3A_415, %select_n3A_565, %select_n3A_567, %select_n3A_569, %select_n3A_719, %select_n3A_721, %select_n3A_723, %select_n3A_873, %select_n3A_875, %select_n3A_877 : vector<16xf32>, vector<16xf32>, vector<16xf32>, vector<16xf32>, vector<16xf32>, vector<16xf32>, vector<16xf32>, vector<16xf32>, vector<16xf32>, vector<16xf32>, vector<16xf32>, vector<16xf32>
      }
      %scan3A_197 = arith.constant 4 : i32
      %add3A_198 = arith.constant 0 : i32
      %add3A_199 = arith.addi %mul3A_132, %add3A_198 : i32
      %swap3A = arith.index_cast %add3A_199 : i32 to index
      %swap3A_200 = arith.constant 0 : index
      %swap3A_201 = tpu.vector_load %arg6[%swap3A, %swap3A_200] {strides = array<i32>} : memref<72x64xf32, #tpu.memory_space<vmem>>, vector<16xf32>,
      tpu.vector_store %arg6[%swap3A, %swap3A_200], %scan3A_196#0 {strides = array<i32>} : memref<72x64xf32, #tpu.memory_space<vmem>>, vector<16xf32>,
      %add3A_202 = arith.constant 1 : i32
      %add3A_203 = arith.addi %mul3A_132, %add3A_202 : i32
      %swap3A_204 = arith.index_cast %add3A_203 : i32 to index
      %swap3A_205 = arith.constant 0 : index
      %swap3A_206 = tpu.vector_load %arg6[%swap3A_204, %swap3A_205] {strides = array<i32>} : memref<72x64xf32, #tpu.memory_space<vmem>>, vector<16xf32>,
      tpu.vector_store %arg6[%swap3A_204, %swap3A_205], %scan3A_196#1 {strides = array<i32>} : memref<72x64xf32, #tpu.memory_space<vmem>>, vector<16xf32>,
      %add3A_207 = arith.constant 2 : i32
      %add3A_208 = arith.addi %mul3A_132, %add3A_207 : i32
      %swap3A_209 = arith.index_cast %add3A_208 : i32 to index
      %swap3A_210 = arith.constant 0 : index
      %swap3A_211 = tpu.vector_load %arg6[%swap3A_209, %swap3A_210] {strides = array<i32>} : memref<72x64xf32, #tpu.memory_space<vmem>>, vector<16xf32>,
      tpu.vector_store %arg6[%swap3A_209, %swap3A_210], %scan3A_196#2 {strides = array<i32>} : memref<72x64xf32, #tpu.memory_space<vmem>>, vector<16xf32>,
      %add3A_212 = arith.constant 0 : i32
      %add3A_213 = arith.addi %mul3A_132, %add3A_212 : i32
      %swap3A_214 = arith.index_cast %add3A_213 : i32 to index
      %swap3A_215 = arith.constant 16 : index
      %swap3A_216 = tpu.vector_load %arg6[%swap3A_214, %swap3A_215] {strides = array<i32>} : memref<72x64xf32, #tpu.memory_space<vmem>>, vector<16xf32>,
      tpu.vector_store %arg6[%swap3A_214, %swap3A_215], %scan3A_196#3 {strides = array<i32>} : memref<72x64xf32, #tpu.memory_space<vmem>>, vector<16xf32>,
      %add3A_217 = arith.constant 1 : i32
      %add3A_218 = arith.addi %mul3A_132, %add3A_217 : i32
      %swap3A_219 = arith.index_cast %add3A_218 : i32 to index
      %swap3A_220 = arith.constant 16 : index
      %swap3A_221 = tpu.vector_load %arg6[%swap3A_219, %swap3A_220] {strides = array<i32>} : memref<72x64xf32, #tpu.memory_space<vmem>>, vector<16xf32>,
      tpu.vector_store %arg6[%swap3A_219, %swap3A_220], %scan3A_196#4 {strides = array<i32>} : memref<72x64xf32, #tpu.memory_space<vmem>>, vector<16xf32>,
      %add3A_222 = arith.constant 2 : i32
      %add3A_223 = arith.addi %mul3A_132, %add3A_222 : i32
      %swap3A_224 = arith.index_cast %add3A_223 : i32 to index
      %swap3A_225 = arith.constant 16 : index
      %swap3A_226 = tpu.vector_load %arg6[%swap3A_224, %swap3A_225] {strides = array<i32>} : memref<72x64xf32, #tpu.memory_space<vmem>>, vector<16xf32>,
      tpu.vector_store %arg6[%swap3A_224, %swap3A_225], %scan3A_196#5 {strides = array<i32>} : memref<72x64xf32, #tpu.memory_space<vmem>>, vector<16xf32>,
      %add3A_227 = arith.constant 0 : i32
      %add3A_228 = arith.addi %mul3A_132, %add3A_227 : i32
      %swap3A_229 = arith.index_cast %add3A_228 : i32 to index
      %swap3A_230 = arith.constant 32 : index
      %swap3A_231 = tpu.vector_load %arg6[%swap3A_229, %swap3A_230] {strides = array<i32>} : memref<72x64xf32, #tpu.memory_space<vmem>>, vector<16xf32>,
      tpu.vector_store %arg6[%swap3A_229, %swap3A_230], %scan3A_196#6 {strides = array<i32>} : memref<72x64xf32, #tpu.memory_space<vmem>>, vector<16xf32>,
      %add3A_232 = arith.constant 1 : i32
      %add3A_233 = arith.addi %mul3A_132, %add3A_232 : i32
      %swap3A_234 = arith.index_cast %add3A_233 : i32 to index
      %swap3A_235 = arith.constant 32 : index
      %swap3A_236 = tpu.vector_load %arg6[%swap3A_234, %swap3A_235] {strides = array<i32>} : memref<72x64xf32, #tpu.memory_space<vmem>>, vector<16xf32>,
      tpu.vector_store %arg6[%swap3A_234, %swap3A_235], %scan3A_196#7 {strides = array<i32>} : memref<72x64xf32, #tpu.memory_space<vmem>>, vector<16xf32>,
      %add3A_237 = arith.constant 2 : i32
      %add3A_238 = arith.addi %mul3A_132, %add3A_237 : i32
      %swap3A_239 = arith.index_cast %add3A_238 : i32 to index
      %swap3A_240 = arith.constant 32 : index
      %swap3A_241 = tpu.vector_load %arg6[%swap3A_239, %swap3A_240] {strides = array<i32>} : memref<72x64xf32, #tpu.memory_space<vmem>>, vector<16xf32>,
      tpu.vector_store %arg6[%swap3A_239, %swap3A_240], %scan3A_196#8 {strides = array<i32>} : memref<72x64xf32, #tpu.memory_space<vmem>>, vector<16xf32>,
      %add3A_242 = arith.constant 0 : i32
      %add3A_243 = arith.addi %mul3A_132, %add3A_242 : i32
      %swap3A_244 = arith.index_cast %add3A_243 : i32 to index
      %swap3A_245 = arith.constant 48 : index
      %swap3A_246 = tpu.vector_load %arg6[%swap3A_244, %swap3A_245] {strides = array<i32>} : memref<72x64xf32, #tpu.memory_space<vmem>>, vector<16xf32>,
      tpu.vector_store %arg6[%swap3A_244, %swap3A_245], %scan3A_196#9 {strides = array<i32>} : memref<72x64xf32, #tpu.memory_space<vmem>>, vector<16xf32>,
      %add3A_247 = arith.constant 1 : i32
      %add3A_248 = arith.addi %mul3A_132, %add3A_247 : i32
      %swap3A_249 = arith.index_cast %add3A_248 : i32 to index
      %swap3A_250 = arith.constant 48 : index
      %swap3A_251 = tpu.vector_load %arg6[%swap3A_249, %swap3A_250] {strides = array<i32>} : memref<72x64xf32, #tpu.memory_space<vmem>>, vector<16xf32>,
      tpu.vector_store %arg6[%swap3A_249, %swap3A_250], %scan3A_196#10 {strides = array<i32>} : memref<72x64xf32, #tpu.memory_space<vmem>>, vector<16xf32>,
      %add3A_252 = arith.constant 2 : i32
      %add3A_253 = arith.addi %mul3A_132, %add3A_252 : i32
      %swap3A_254 = arith.index_cast %add3A_253 : i32 to index
      %swap3A_255 = arith.constant 48 : index
      %swap3A_256 = tpu.vector_load %arg6[%swap3A_254, %swap3A_255] {strides = array<i32>} : memref<72x64xf32, #tpu.memory_space<vmem>>, vector<16xf32>,
      tpu.vector_store %arg6[%swap3A_254, %swap3A_255], %scan3A_196#11 {strides = array<i32>} : memref<72x64xf32, #tpu.memory_space<vmem>>, vector<16xf32>,
    }
    %scan3A_129 = arith.constant 24 : i32
    "tpu.region"() ({
      %run_scoped3A = tpu.sem_alloc : memref<!tpu.dma_semaphore, #tpu.memory_space<semaphore_mem>>
      %dma_start3A_130 = arith.constant 69 : i32
      %dma_start3A_131 = arith.constant 0 : i32
      %dma_start3A_132 = tpu.memref_slice %arg6[%dma_start3A_130, %dma_start3A_131] : memref<72x64xf32, #tpu.memory_space<vmem>> -> memref<3x64xf32, #tpu.memory_space<vmem>>
      %dma_start3A_133 = arith.constant 0 : i32
      %dma_start3A_134 = tpu.memref_slice %arg5[%dma_start3A_133, %mul3A_2] : memref<3x2048xf32, #tpu.memory_space<hbm>> -> memref<3x64xf32, #tpu.memory_space<hbm>>
      %dma_start3A_135 = arith.constant 0 : i32
      %dma_start3A_136 = tpu.memref_slice %arg5[%dma_start3A_135, %mul3A_2] : memref<3x2048xf32, #tpu.memory_space<hbm>> -> memref<3x64xf32, #tpu.memory_space<hbm>>
      %dma_start3A_137 = arith.constant 69 : i32
      %dma_start3A_138 = arith.constant 0 : i32
      %dma_start3A_139 = tpu.memref_slice %arg6[%dma_start3A_137, %dma_start3A_138] : memref<72x64xf32, #tpu.memory_space<vmem>> -> memref<3x64xf32, #tpu.memory_space<vmem>>
      tpu.enqueue_dma source(%dma_start3A_139 : memref<3x64xf32, #tpu.memory_space<vmem>>) target(%dma_start3A_136 : memref<3x64xf32, #tpu.memory_space<hbm>>) target_semaphore(%run_scoped3A : memref<!tpu.dma_semaphore, #tpu.memory_space<semaphore_mem>>)
      %dma_wait3A_140 = arith.constant 69 : i32
      %dma_wait3A_141 = arith.constant 0 : i32
      %dma_wait3A_142 = tpu.memref_slice %arg6[%dma_wait3A_140, %dma_wait3A_141] : memref<72x64xf32, #tpu.memory_space<vmem>> -> memref<3x64xf32, #tpu.memory_space<vmem>>
      %dma_wait3A_143 = arith.constant 0 : i32
      %dma_wait3A_144 = tpu.memref_slice %arg5[%dma_wait3A_143, %mul3A_2] : memref<3x2048xf32, #tpu.memory_space<hbm>> -> memref<3x64xf32, #tpu.memory_space<hbm>>
      %dma_wait3A_145 = arith.constant 0 : i32
      %dma_wait3A_146 = tpu.memref_slice %arg5[%dma_wait3A_145, %mul3A_2] : memref<3x2048xf32, #tpu.memory_space<hbm>> -> memref<3x64xf32, #tpu.memory_space<hbm>>
      %dma_wait3A_147 = arith.constant 69 : i32
      %dma_wait3A_148 = arith.constant 0 : i32
      %dma_wait3A_149 = tpu.memref_slice %arg6[%dma_wait3A_147, %dma_wait3A_148] : memref<72x64xf32, #tpu.memory_space<vmem>> -> memref<3x64xf32, #tpu.memory_space<vmem>>
      tpu.wait_dma2 semaphore(%run_scoped3A : memref<!tpu.dma_semaphore, #tpu.memory_space<semaphore_mem>>) src(%dma_wait3A_149 : memref<3x64xf32, #tpu.memory_space<vmem>>) dst(%dma_wait3A_146 : memref<3x64xf32, #tpu.memory_space<hbm>>)
      tpu.yield
    }) : () -> ()
    return
  }
}

</mosaic_0001>

<sc_bundles>
// kernel: kernel.3.cloned.1.call-start
scs
__scs_entry_jumppad:
0x0: {  	(pc) =	sbr.rel $0x88, $3  }
0x1: {  	(tag) =	ssettag $0x0;
	lr =	simm.s32 $0x1  }
0x2: {  	[smem:$0x3F9B] =	sst lr;
	_ =	strace $0xD0000000  }
0x3: {  	_ = 	snop  }
0x4: {  	_ = 	snop  }
0x5: {  	_ = 	snop  }
0x6: {  	_ = 	snop  }
0x7: {  	_ = 	snop  }
__scs_overlays_trampoline_lowered:
0x8: {  	[smem:$0x3FAA] =	sst s0  }
0x9: {  	[smem:$0x3FAB] =	sst s1  }
0xa: {  	[smem:$0x3FAC] =	sst s2  }
0xb: {  	[smem:$0x3FAD] =	sst s3  }
0xc: {  	[smem:$0x3FAE] =	sst s4  }
0xd: {  	[smem:$0x3FAF] =	sst s5  }
0xe: {  	[smem:$0x3FB0] =	sst s6  }
0xf: {  	[smem:$0x3FB1] =	sst s7  }
0x10: {  	[smem:$0x3FB2] =	sst s8  }
0x11: {  	[smem:$0x3FB3] =	sst s9;
	s0 =	simm.s32 @!p0 $0x0  }
0x12: {  	s1 =	sld [smem:$0x3F99];
	s0 =	simm.s32 @p0 $0x1  }
0x13: {  	[smem:$0x3FB4] =	sst s0;
	s0 =	simm.s32 @!p1 $0x0  }
0x14: {  	s2 =	sld [smem:$0x3F98];
	s0 =	simm.s32 @p1 $0x1  }
0x15: {  	[smem:$0x3FB5] =	sst s0;
	s0 =	simm.s32 @!p2 $0x0  }
0x16: {  	s3 =	sld [smem:$0x3FDB];
	s0 =	simm.s32 @p2 $0x1  }
0x17: {  	s4 =	simm.s32 $0x1BF5;
	[smem:$0x3FB7] =	sst s0  }
0x18: {  	s0 =	sld [smem:$0x3F9A];
	_ =	swait.ge [sflag:s4], $0x0  }
0x19: {  	s7 =	sld [smem:$0x3F9B]  }
0x1a: {  	s8 =	sadd.s32 $0xFFFFE003, lr  }
0x1b: {  	s9 =	sadd.s32 $0xFFFFFEF7, lr;
	s5 =	simm.s32 $0xFFFFFFFF;
	p2 =	slt.u32 s8, $0xFFFFF086  }
0x1c: {  	p1 =	slt.u32 s9, $0xF7A;
	s5 =	simm.s32 @!p2 $0x0  }
0x1d: {  	s5 =	simm.s32 @p1 $0x1;
	p0 =	seq.s32 s7, s2  }
0x1e: {  	s7 =	smul.u32 @!p0 $0xF7A, s2;
	p2 =	seq.s32 @!p0 s5, $0x0  }
0x1f: {  	s9 =	smul.u32 $0xF7A, s1;
	s8 =	simm.s32 @!p0 $0x1BF5;
	p2 =	por !p2, p0  }
0x20: {  	[sflag:s8] =	ssyncset.s32 @!p0 $0xFFFFF086;
	s6 =	sadd.s32 @!p0 s3, s7;
	s7 =	simm.s32 @!p0 $0x108  }
0x21: {  	s3 =	sadd.s32 s3, s9;
	s6 =	sadd.s32 @!p0 $0x88, s6;
	s7 =	simm.s32 @p2 $0x1082  }
0x22: {  	[simem:s7], [sflag:s8] =	dma.local @!p0 [hbm:s6], $0xF7A  }
0x23: {  	s9 =	sor.u32 $0xD0000000, s2;
	s6 =	simm.s32 $0x108;
	_ =	swait.ge @!p0 [sflag:s8], $0x0  }
0x24: {  	s3 =	sadd.s32 $0x88, s3;
	s6 =	simm.s32 @!p1 $0x1082;
	[sflag:s4] =	ssyncset.s32 $0xFFFFF086  }
0x25: {  	[simem:s6], [sflag:s4] =	dma.local [hbm:s3], $0xF7A  }
0x26: {  	[smem:$0x3F9B] =	sst s1;
	(tag) =	ssettag s2;
	_ =	strace s9  }
0x27: {  	s1 =	sld [smem:$0x3FAB]  }
0x28: {  	s2 =	sld [smem:$0x3FAC]  }
0x29: {  	s4 =	sld [smem:$0x3FAE]  }
0x2a: {  	p0 =	seq.s32 s5, $0x0;
	s5 =	sld [smem:$0x3FAF]  }
0x2b: {  	s6 =	sld [smem:$0x3FB0]  }
0x2c: {  	s7 =	sld [smem:$0x3FB1]  }
0x2d: {  	s3 =	simm.s32 $0x108;
	s8 =	sld [smem:$0x3FB2]  }
0x2e: {  	s3 =	simm.s32 @!p0 $0x1082;
	s9 =	sld [smem:$0x3FB3]  }
0x2f: {  	lr =	sadd.s32 s0, s3;
	s0 =	sld [smem:$0x3FAA]  }
0x30: {  	s3 =	sld [smem:$0x3FAD]  }
0x31: {  	[smem:$0x3FB6] =	sst s10  }
0x32: {  	s10 =	sld [smem:$0x3FB4];
	_ =	sdelay $0x3  }
0x33: {  	p0 =	seq.s32 s10, $0x1;
	s10 =	sld [smem:$0x3FB6];
	_ =	sdelay $0x3  }
0x34: {  	[smem:$0x3FB6] =	sst s10  }
0x35: {  	s10 =	sld [smem:$0x3FB5];
	_ =	sdelay $0x3  }
0x36: {  	p1 =	seq.s32 s10, $0x1;
	s10 =	sld [smem:$0x3FB6];
	_ =	sdelay $0x3  }
0x37: {  	[smem:$0x3FB6] =	sst s10  }
0x38: {  	s10 =	sld [smem:$0x3FB7]  }
0x39: {  	_ = 	snop;
	(pc) =	sbr.ind lr, $3  }
0x3a: {  	_ = 	snop  }
0x3b: {  	_ = 	snop  }
0x3c: {  	p2 =	seq.s32 s10, $0x1;
	s10 =	sld [smem:$0x3FB6]  }
0x3d: {  	_ =	shalt  }
0x3e: {  	_ =	shalt  }
0x3f: {  	_ =	shalt  }
0x40: {  	_ =	shalt  }
0x41: {  	_ =	shalt  }
0x42: {  	_ =	shalt  }
0x43: {  	_ =	shalt  }
0x44: {  	_ =	shalt  }
0x45: {  	_ =	shalt  }
0x46: {  	_ =	shalt  }
0x47: {  	_ =	shalt  }
0x48: {  	_ =	shalt  }
0x49: {  	_ =	shalt  }
0x4a: {  	_ =	shalt  }
0x4b: {  	_ =	shalt  }
0x4c: {  	_ =	shalt  }
0x4d: {  	_ =	shalt  }
0x4e: {  	_ =	shalt  }
0x4f: {  	_ =	shalt  }
0x50: {  	_ =	shalt  }
0x51: {  	_ =	shalt  }
0x52: {  	_ =	shalt  }
0x53: {  	_ =	shalt  }
0x54: {  	_ =	shalt  }
0x55: {  	_ =	shalt  }
0x56: {  	_ =	shalt  }
0x57: {  	_ =	shalt  }
0x58: {  	_ =	shalt  }
0x59: {  	_ =	shalt  }
0x5a: {  	_ =	shalt  }
0x5b: {  	_ =	shalt  }
0x5c: {  	_ =	shalt  }
0x5d: {  	_ =	shalt  }
0x5e: {  	_ =	shalt  }
0x5f: {  	_ =	shalt  }
0x60: {  	_ =	shalt  }
0x61: {  	_ =	shalt  }
0x62: {  	_ =	shalt  }
0x63: {  	_ =	shalt  }
0x64: {  	_ =	shalt  }
0x65: {  	_ =	shalt  }
0x66: {  	_ =	shalt  }
0x67: {  	_ =	shalt  }
0x68: {  	_ =	shalt  }
0x69: {  	_ =	shalt  }
0x6a: {  	_ =	shalt  }
0x6b: {  	_ =	shalt  }
0x6c: {  	_ =	shalt  }
0x6d: {  	_ =	shalt  }
0x6e: {  	_ =	shalt  }
0x6f: {  	_ =	shalt  }
0x70: {  	_ =	shalt  }
0x71: {  	_ =	shalt  }
0x72: {  	_ =	shalt  }
0x73: {  	_ =	shalt  }
0x74: {  	_ =	shalt  }
0x75: {  	_ =	shalt  }
0x76: {  	_ =	shalt  }
0x77: {  	_ =	shalt  }
0x78: {  	_ =	shalt  }
0x79: {  	_ =	shalt  }
0x7a: {  	_ =	shalt  }
0x7b: {  	_ =	shalt  }
0x7c: {  	_ =	shalt  }
0x7d: {  	_ =	shalt  }
0x7e: {  	_ =	shalt  }
0x7f: {  	_ =	shalt  }
0x80: {  	_ =	shalt  }
0x81: {  	_ =	shalt  }
0x82: {  	_ =	shalt  }
0x83: {  	_ =	shalt  }
0x84: {  	_ =	shalt  }
0x85: {  	_ =	shalt  }
0x86: {  	_ =	shalt  }
0x87: {  	_ =	shalt  }
.Lfunc_end0:
.L_simem_size_0:
called_computation_lowered:
.L_overlay_start_0:
0x88: {  	s2 =	sld [smem:$0x3FD9]  }
0x89: {  	s3 =	sld [smem:$0x3FFE];
	_ =	sdelay $0x1  }
0x8a: {  	s1 =	srdreg.scid  }
0x8b: {  	s0 =	sand.u32 $0x1, s1  }
0x8c: {  	s17 =	sshll.u32 s0, $0xA;
	s2 =	sadd.s32 s3, s2  }
0x8d: {  	s2 =	sadd.s32 s2, s17  }
0x8e: {  	[smem:$0x3FC2] =	sst s2  }
0x8f: {  	_ = 	snop  }
0x90: {  	s2 =	sld [smem:$0x3FD0];
	(tm) =	ssettm $0x1  }
0x91: {  	s18 =	sld [smem:$0x3FFB];
	_ =	sdelay $0x3  }
0x92: {  	_ =	strace s18  }
0x93: {  	s3 =	sld [smem:$0x3FFC];
	_ =	sdelay $0x3  }
0x94: {  	_ =	strace s3  }
0x95: {  	s3 =	sld [smem:$0x3FFD];
	_ =	sdelay $0x3  }
0x96: {  	_ =	strace s3  }
0x97: {  	_ =	strace $0x8FFFFFFF  }
0x98: {  	s19 =	sld [smem:$0x3FDB];
	_ =	sdelay $0x1  }
0x99: {  	s4 =	simm.s32 $_scs_section_size  }
0x9a: {  	s5 =	simm.s32 $_size__tile_overlayer_lowered;
	s6 =	simm.s32 $_tile_overlayer_lowered  }
0x9b: {  	s22 =	simm.s32 $0x1BFF;
	s21 =	sshll.u32 s6, $0x1;
	s3 =	sadd.s32 s4, s19  }
0x9c: {  	s7 =	simm.s32 $0x0;
	s20 =	sshll.u32 s5, $0x1;
	s5 =	sadd.s32 s21, s3  }
0x9d: {  	[timem:s7], [sflag:s22] =	dma.local [hbm:s5], s20  }
0x9e: {  	_ =	swait.ge [sflag:s22], s20  }
0x9f: {  	s4 =	ssub.s32 $0x0, s20;
	[sflag:s22] =	ssyncset.done $0x0  }
0xa0: {  	[sflag:s22] =	ssyncadd.s32 s4;
	_ =	sdelay $0x1  }
0xa1: {  	s23 =	simm.s32 $0x1B8B  }
0xa2: {  	_ =	swait.ge [sflag:s23], $0x1  }
0xa3: {  	[sflag:s23] =	ssyncset.done $0x0  }
0xa4: {  	s25 =	simm.s32 $0x1B8E;
	s24 =	sld [smem:$0x3FFE];
	[sflag:s23] =	ssyncadd.s32 $0xFFFFFFFF  }
0xa5: {  	s26 =	simm.s32 $execute0_lowered;
	[smem:$0x3FD2] =	sst s25  }
0xa6: {  	s5 =	sshll.u32 s26, $0x1;
	_ =	strace $0x80000046;
	[dreg:$0x1] =	wrdreg $0xFFFFFFFF  }
0xa7: {  	s28 =	simm.s32 $_size_execute0_lowered;
	s3 =	sadd.s32 s3, s5;
	[dreg:$0x0] =	wrdreg $0x0  }
0xa8: {  	s5 =	sshll.u32 s28, $0x1;
	[dreg:$0x2] =	wrdreg s3  }
0xa9: {  	[dreg:$0x3] =	wrdreg s5  }
0xaa: {  	[dreg:$0x4] =	wrdreg $0xC0  }
0xab: {  	_ =	task [dreg:s7], $0x5FFFF  }
0xac: {  	[dreg:$0x1] =	wrdreg $0xFFFFFFFF  }
0xad: {  	[dreg:$0x0] =	wrdreg $0x60  }
0xae: {  	[dreg:$0x2] =	wrdreg s24  }
0xaf: {  	[dreg:$0x3] =	wrdreg s2  }
0xb0: {  	[dreg:$0x4] =	wrdreg $0x9  }
0xb1: {  	_ =	task.clear_ibuf [dreg:s7], $0x5FFFF;
	_ =	strace $0x90000046  }
0xb2: {  	s29 =	simm.s32 $0x9;
	_ =	strace $0x80000048  }
0xb3: {  	_ =	swait.ge [sflag:s29], $0x1  }
0xb4: {  	[sflag:s29] =	ssyncadd.s32 $0xFFFFFFFF  }
0xb5: {  	_ =	strace $0x90000048  }
0xb6: {  	_ =	sfence  }
0xb7: {  	s30 =	sld [smem:$0x0];
	_ =	sdelay $0x2  }
0xb8: {  	s31 =	sshll.u32 s1, $0xD;
	s1 =	sshrl.u32 s1, $0x2  }
0xb9: {  	s3 =	sand.u32 $0x4000, s31;
	s1 =	sadd.s32 s1, s30  }
0xba: {  	s0 =	sor.u32 s3, s0;
	s1 =	sshll.u32 s1, $0x11  }
0xbb: {  	s0 =	sor.u32 s1, s0  }
0xbc: {  	s0 =	sadd.s32 $0x8F2B, s0  }
0xbd: {  	[sflag:s0] =	ssyncadd.remote.s32 $0x1  }
0xbe: {  	_ =	sfence.sel $0xFFFF  }
0xbf: {  	[dreg:$0x0] =	wrdreg $0xFFFFFFFF;
	(pc) =	sbr.abs _section_cstart, $3  }
0xc0: {  	[dreg:$0x1] =	wrdreg $0xFFFFFFFF  }
0xc1: {  	_ =	task.clear_ibuf [dreg:s7], $0x2FFFF;
	_ =	strace $0x9FFFFFFF  }
0xc2: {  	(tm) =	ssettm $0x7FFFFFFF  }
0xc3: {  	_ =	shalt  }
tec
execute0_lowered:
.L_overlay_start_1:
0x0: {  	(tag) =	ssettag $0x1  }
0x1: {  	s0 =	rddreg [dreg:$0x0]  }
0x2: {  	s1 =	srdreg.scid;
	s5 =	rddreg [dreg:$0x1]  }
0x3: {  	s2 =	stileid.u32;
	s3 =	simm.s32 $0x0;
	s28 =	simm.s32 $0x2A78  }
0x4: {  	s29 =	simm.s32 $0x2A90;
	s30 =	simm.s32 $0x2AA8;
	s31 =	simm.s32 $0x2AC0  }
0x5: {  	s1 =	sand.u32 $0x1, s1;
	s2 =	sshll.u32 s2, $0x4;
	[smem:$0x7FF] =	sst s3  }
0x6: {  	s22 =	sadd.s32 $0x3, s5;
	s23 =	sadd.s32 $0x6, s5;
	s24 =	sadd.s32 $0x9, s5  }
0x7: {  	s25 =	sadd.s32 $0xC, s5;
	s26 =	sadd.s32 $0xF, s5;
	s11 =	sadd.s32 $0x12, s5  }
0x8: {  	s12 =	sadd.s32 $0x15, s5;
	_ =	strace $0x80000047;
	[dreg:$0x5] =	wrdreg s22  }
0x9: {  	s13 =	sadd.s32 $0x18, s5;
	s14 =	sadd.s32 $0x1B, s5;
	[dreg:$0x6] =	wrdreg s23  }
0xa: {  	s15 =	sadd.s32 $0x1E, s5;
	s16 =	sadd.s32 $0x21, s5;
	[dreg:$0x7] =	wrdreg s24  }
0xb: {  	s5 =	simm.s32 $0x0;
	s4 =	sshll.u32 s1, $0x3;
	[dreg:$0x8] =	wrdreg s25  }
0xc: {  	s1 =	ssub.s32 $0x2, s1;
	[dreg:$0x9] =	wrdreg s26;
	s22 =	simm.s32 $0x2A00  }
0xd: {  	s23 =	simm.s32 $0x2A18;
	s24 =	simm.s32 $0x2A30;
	s25 =	simm.s32 $0x2A48  }
0xe: {  	s26 =	simm.s32 $0x2A60;
	s2 =	sor.u32 s4, s2;
	s19 =	sshrl.u32 s1, $0x1  }
0xf: {  	v62 =	vlaneseq.u32;
	s4 =	simm.s32 $0x2;
	s0 =	sadd.s32 s2, s0;
	s1 =	ssub.s32 s1, s19  }
0x10: {  	v1 =	vor.u32 $0x40, v62;
	v2 =	vor.u32 $0x80, v62;
	s19 =	simm.s32 $0x40;
	s2 =	simm.s32 $0x1;
	s20 =	sadd.s32 $0x6A00, s0  }
0x11: {  	v3 =	vor.u32 $0x10, v62;
	v4 =	vor.u32 $0x50, v62;
	v5 =	vor.u32 $0x90, v62;
	s21 =	sadd.s32 $0xA00, s0;
	s17 =	sadd.s32 $0xB200, s0;
	s18 =	smax.u32 s1, $0x1  }
0x12: {  	v6 =	vor.u32 $0x20, v62;
	v7 =	vor.u32 $0x60, v62;
	v8 =	vor.u32 $0xA0, v62;
	s0 =	simm.s32 $0x2AD8;
	s1 =	simm.s32 $0x2AF0;
	[dreg:$0x3] =	wrdreg s20  }
0x13: {  	v9 =	vor.u32 $0x30, v62;
	v10 =	vor.u32 $0x70, v62;
	v11 =	vor.u32 $0xB0, v62;
	[dreg:$0x4] =	wrdreg s21;
	s20 =	simm.s32 $0x800;
	s21 =	simm.s32 $0x2B08  }
.LBB2_1:
0x14: {  	s6 =	rddreg [dreg:$0x3]  }
0x15: {  	[tilespmem:s3], [sflag:$0x1] =	stream.strided.gather [hbm4b:s6+s19], $0x1200, s20, s19, $0x38;
	[tilespmem:$0x2B20] =	vst v63  }
0x16: {  	s8 =	rddreg [dreg:$0x4];
	s7 =	simm.s32 $0x1200  }
0x17: {  	[tilespmem:s7], [sflag:$0x1] =	stream.strided.gather [hbm4b:s8+s19], $0x1800, s20, s19, $0x38;
	[tilespmem:$0x2B20] =	vst v63  }
0x18: {  	s9 =	rddreg [dreg:$0x1]  }
0x19: {  	[tilespmem:s22], [sflag:$0x1] =	stream.linear.gather [hbm4b:s9+s3], $0x18, $0x38;
	[tilespmem:$0x2B20] =	vst v63  }
0x1a: {  	s10 =	rddreg [dreg:$0x5]  }
0x1b: {  	[tilespmem:s23], [sflag:$0x1] =	stream.linear.gather [hbm4b:s10+s3], $0x18, $0x38;
	[tilespmem:$0x2B20] =	vst v63  }
0x1c: {  	s7 =	rddreg [dreg:$0x6]  }
0x1d: {  	[tilespmem:s24], [sflag:$0x1] =	stream.linear.gather [hbm4b:s7+s3], $0x18, $0x38;
	[tilespmem:$0x2B20] =	vst v63  }
0x1e: {  	s8 =	rddreg [dreg:$0x7]  }
0x1f: {  	[tilespmem:s25], [sflag:$0x1] =	stream.linear.gather [hbm4b:s8+s3], $0x18, $0x38;
	[tilespmem:$0x2B20] =	vst v63  }
0x20: {  	s9 =	rddreg [dreg:$0x8]  }
0x21: {  	[tilespmem:s26], [sflag:$0x1] =	stream.linear.gather [hbm4b:s9+s3], $0x18, $0x38;
	[tilespmem:$0x2B20] =	vst v63  }
0x22: {  	s10 =	rddreg [dreg:$0x9]  }
0x23: {  	[tilespmem:s28], [sflag:$0x1] =	stream.linear.gather [hbm4b:s10+s3], $0x18, $0x38;
	[tilespmem:$0x2B20] =	vst v63  }
0x24: {  	_ = 	snop  }
0x25: {  	[tilespmem:s29], [sflag:$0x1] =	stream.linear.gather [hbm4b:s11+s3], $0x18, $0x38;
	[tilespmem:$0x2B20] =	vst v63  }
0x26: {  	_ = 	snop  }
0x27: {  	[tilespmem:s30], [sflag:$0x1] =	stream.linear.gather [hbm4b:s12+s3], $0x18, $0x38;
	[tilespmem:$0x2B20] =	vst v63  }
0x28: {  	_ = 	snop  }
0x29: {  	[tilespmem:s31], [sflag:$0x1] =	stream.linear.gather [hbm4b:s13+s3], $0x18, $0x38;
	[tilespmem:$0x2B20] =	vst v63  }
0x2a: {  	_ = 	snop  }
0x2b: {  	[tilespmem:s0], [sflag:$0x1] =	stream.linear.gather [hbm4b:s14+s3], $0x18, $0x38;
	[tilespmem:$0x2B20] =	vst v63  }
0x2c: {  	_ = 	snop  }
0x2d: {  	[tilespmem:s1], [sflag:$0x1] =	stream.linear.gather [hbm4b:s15+s3], $0x18, $0x38;
	[tilespmem:$0x2B20] =	vst v63  }
0x2e: {  	_ = 	snop  }
0x2f: {  	[tilespmem:s21], [sflag:$0x1] =	stream.linear.gather [hbm4b:s16+s3], $0x18, $0x38;
	[tilespmem:$0x2B20] =	vst v63  }
0x30: {  	_ =	swait.ge [sflag:s2], $0x1200  }
0x31: {  	[sflag:s2] =	ssyncset.done $0x0  }
0x32: {  	[sflag:s2] =	ssyncadd.s32 $0xFFFFEE00  }
0x33: {  	_ =	swait.ge [sflag:s2], $0x1800  }
0x34: {  	[sflag:s2] =	ssyncset.done $0x0  }
0x35: {  	[sflag:s2] =	ssyncadd.s32 $0xFFFFE800  }
0x36: {  	_ =	swait.ge [sflag:s2], $0x18  }
0x37: {  	[sflag:s2] =	ssyncset.done $0x0  }
0x38: {  	[sflag:s2] =	ssyncadd.s32 $0xFFFFFFE8  }
0x39: {  	_ =	swait.ge [sflag:s2], $0x18  }
0x3a: {  	[sflag:s2] =	ssyncset.done $0x0  }
0x3b: {  	[sflag:s2] =	ssyncadd.s32 $0xFFFFFFE8  }
0x3c: {  	_ =	swait.ge [sflag:s2], $0x18  }
0x3d: {  	[sflag:s2] =	ssyncset.done $0x0  }
0x3e: {  	[sflag:s2] =	ssyncadd.s32 $0xFFFFFFE8  }
0x3f: {  	_ =	swait.ge [sflag:s2], $0x18  }
0x40: {  	[sflag:s2] =	ssyncset.done $0x0  }
0x41: {  	[sflag:s2] =	ssyncadd.s32 $0xFFFFFFE8  }
0x42: {  	_ =	swait.ge [sflag:s2], $0x18  }
0x43: {  	[sflag:s2] =	ssyncset.done $0x0  }
0x44: {  	[sflag:s2] =	ssyncadd.s32 $0xFFFFFFE8  }
0x45: {  	_ =	swait.ge [sflag:s2], $0x18  }
0x46: {  	[sflag:s2] =	ssyncset.done $0x0  }
0x47: {  	[sflag:s2] =	ssyncadd.s32 $0xFFFFFFE8  }
0x48: {  	_ =	swait.ge [sflag:s2], $0x18  }
0x49: {  	[sflag:s2] =	ssyncset.done $0x0  }
0x4a: {  	[sflag:s2] =	ssyncadd.s32 $0xFFFFFFE8  }
0x4b: {  	_ =	swait.ge [sflag:s2], $0x18  }
0x4c: {  	[sflag:s2] =	ssyncset.done $0x0  }
0x4d: {  	[sflag:s2] =	ssyncadd.s32 $0xFFFFFFE8  }
0x4e: {  	_ =	swait.ge [sflag:s2], $0x18  }
0x4f: {  	[sflag:s2] =	ssyncset.done $0x0  }
0x50: {  	[sflag:s2] =	ssyncadd.s32 $0xFFFFFFE8  }
0x51: {  	_ =	swait.ge [sflag:s2], $0x18  }
0x52: {  	[sflag:s2] =	ssyncset.done $0x0  }
0x53: {  	[sflag:s2] =	ssyncadd.s32 $0xFFFFFFE8  }
0x54: {  	_ =	swait.ge [sflag:s2], $0x18  }
0x55: {  	[sflag:s2] =	ssyncset.done $0x0  }
0x56: {  	[sflag:s2] =	ssyncadd.s32 $0xFFFFFFE8  }
0x57: {  	_ =	swait.ge [sflag:s2], $0x18  }
0x58: {  	[sflag:s2] =	ssyncset.done $0x0  }
0x59: {  	s6 =	simm.s32 $0x1220;
	s7 =	simm.s32 $0x0;
	[sflag:s2] =	ssyncadd.s32 $0xFFFFFFE8  }
.LBB2_2:
0x5a: {  	v28 =	vmov s6;
	_ =	sdelay $0x3  }
0x5b: {  	s8 =	smul.u32 $0x300, s7;
	s9 =	simm.s32 $0x0  }
0x5c: {  	v12 =	vld.idx.msk [tilespmem:v28+s9+$0xFFFFFFE0 ss:$0x1], $0xffff  }
0x5d: {  	s8 =	sshra.s32 s8, $0x2  }
0x5e: {  	v18 =	vld [tilespmem:s8+$0x0]  }
0x5f: {  	v17 =	vld [tilespmem:s8+$0x40]  }
0x60: {  	v16 =	vld [tilespmem:s8+$0x80]  }
0x61: {  	v15 =	vld [tilespmem:s8+$0x10];
	v19 =	vshrl.u32 v12, $0x7  }
0x62: {  	v14 =	vld [tilespmem:s8+$0x50]  }
0x63: {  	v13 =	vld [tilespmem:s8+$0x90];
	v20 =	vand.u32 $0x7F, v12  }
0x64: {  	v23 =	vld.idx.msk [tilespmem:v28+s9+$0xFFFFFFF0 ss:$0x1], $0xffff;
	v21 =	vshll.u32 v20, $0x6  }
0x65: {  	v36 =	vld.idx.msk [tilespmem:v28+s9+$0x0 ss:$0x1], $0xffff;
	v22 =	vadd.s32 v2, v21  }
0x66: {  	v24 =	vor.u32 v62, v21;
	v25 =	vld.idx.msk [tilespmem:v19+s31+$0x0], $0xffff  }
0x67: {  	v21 =	vadd.s32 v1, v21;
	v26 =	vld.idx.msk [tilespmem:v19+s29+$0x0], $0xffff  }
0x68: {  	v27 =	vld.idx.msk [tilespmem:v19+s30+$0x0], $0xffff  }
0x69: {  	v30 =	vld.idx.msk [tilespmem:v19+s22+$0x0], $0xffff  }
0x6a: {  	v22 =	vld.idx.msk [tilespmem:v22+s3+$0x0], $0xffff  }
0x6b: {  	v24 =	vld.idx.msk [tilespmem:v24+s3+$0x0], $0xffff  }
0x6c: {  	s10 =	smul.u32 $0x3, s7;
	v21 =	vld.idx.msk [tilespmem:v21+s3+$0x0], $0xffff  }
0x6d: {  	v31 =	vld.idx.msk [tilespmem:v19+s23+$0x0], $0xffff  }
0x6e: {  	v29 =	vmov s10;
	v32 =	vld.idx.msk [tilespmem:v19+s25+$0x0], $0xffff  }
0x6f: {  	vm0 =	veq.s32 v20, v29;
	v33 =	vld.idx.msk [tilespmem:v19+s26+$0x0], $0xffff  }
0x70: {  	v34 =	vld.idx.msk [tilespmem:v19+s24+$0x0], $0xffff;
	v22 =	vsel vm0, v16, v22  }
0x71: {  	v35 =	vld.idx.msk [tilespmem:v19+s28+$0x0], $0xffff;
	v24 =	vsel vm0, v18, v24;
	v21 =	vsel vm0, v17, v21;
	v25 =	vmul.f32 v25, v22  }
0x72: {  	v37 =	vld.idx.msk [tilespmem:v28+s9+$0x10 ss:$0x1], $0xffff;
	v20 =	vshrl.u32 v23, $0x7;
	v26 =	vmul.f32 v26, v24;
	v27 =	vmul.f32 v27, v21  }
0x73: {  	v12 =	vld [tilespmem:s8+$0xA0];
	v30 =	vmul.f32 v30, v24;
	v31 =	vmul.f32 v31, v21  }
0x74: {  	v23 =	vand.u32 $0x7F, v23;
	v38 =	vld.idx.msk [tilespmem:v19+s21+$0x0], $0xffff;
	v24 =	vmul.f32 v32, v24;
	v21 =	vmul.f32 v33, v21  }
0x75: {  	v45 =	vld.idx.msk [tilespmem:v19+s0+$0x0], $0xffff;
	v26 =	vadd.f32 v27, v26;
	v30 =	vadd.f32 v31, v30;
	v31 =	vmul.f32 v34, v22  }
0x76: {  	v46 =	vld.idx.msk [tilespmem:v19+s1+$0x0], $0xffff;
	v27 =	vshll.u32 v23, $0x6;
	v21 =	vadd.f32 v21, v24;
	v22 =	vmul.f32 v35, v22  }
0x77: {  	v47 =	vld.idx.msk [tilespmem:v20+s31+$0x0], $0xffff;
	v24 =	vadd.f32 v25, v26;
	v26 =	vadd.f32 v31, v30;
	v30 =	vor.u32 v3, v27  }
0x78: {  	v52 =	vand.u32 $0x7F, v36;
	v39 =	vld.idx.msk [tilespmem:v20+s29+$0x0], $0xffff;
	v21 =	vadd.f32 v22, v21  }
0x79: {  	v53 =	vshll.u32 v52, $0x6;
	v40 =	vld.idx.msk [tilespmem:v20+s30+$0x0], $0xffff;
	v22 =	vmul.f32 v24, v16;
	v24 =	vadd.s32 v4, v27  }
0x7a: {  	vm1 =	veq.s32 v52, v29;
	v42 =	vld.idx.msk [tilespmem:v20+s23+$0x0], $0xffff;
	v26 =	vmul.f32 v26, v18;
	v21 =	vmul.f32 v21, v17  }
0x7b: {  	vm2 =	veq.s32 v23, v29;
	v23 =	vld.idx.msk [tilespmem:v20+s25+$0x0], $0xffff;
	v25 =	vadd.s32 v5, v27;
	v33 =	vadd.f32 v38, v22  }
0x7c: {  	v55 =	vadd.s32 v8, v53;
	v49 =	vadd.f32 v45, v26;
	v50 =	vadd.f32 v46, v21;
	v30 =	vld.idx.msk [tilespmem:v30+s3+$0x0], $0xffff  }
0x7d: {  	v27 =	vshrl.u32 v36, $0x7;
	v22 =	vld.idx.msk [tilespmem:v20+s22+$0x0], $0xffff;
	v26 =	vshrl.u32 v37, $0x7;
	v21 =	vand.u32 $0x7FFFFFFF, v33  }
0x7e: {  	v54 =	vand.u32 $0x7FFFFFFF, v49;
	v41 =	vand.u32 $0x7FFFFFFF, v50;
	v21 =	vsub.f32 $0.0e+00, v21;
	v24 =	vld.idx.msk [tilespmem:v24+s3+$0x0], $0xffff  }
0x7f: {  	v56 =	vld.idx.msk [tilespmem:v20+s26+$0x0], $0xffff;
	v37 =	vand.u32 $0x7F, v37;
	v36 =	vsub.f32 $0.0e+00, v54;
	v41 =	vsub.f32 $0.0e+00, v41  }
0x80: {  	v45 =	vor.u32 v6, v53;
	v25 =	vld.idx.msk [tilespmem:v25+s3+$0x0], $0xffff;
	vm0 =	veq.s32 v37, v29;
	v21 =	vmul.f32 $1.442695020e+00, v21  }
0x81: {  	v60 =	vld.idx.msk [tilespmem:v20+s21+$0x0], $0xffff;
	v36 =	vmul.f32 $1.442695020e+00, v36;
	v41 =	vmul.f32 $1.442695020e+00, v41;
	v30 =	vsel vm2, v15, v30  }
0x82: {  	v31 =	vld.idx.msk [tilespmem:v20+s24+$0x0], $0xffff;
	v37 =	vshll.u32 v37, $0x6;
	(erf) = vpow2.f32 v21;
	v39 =	vmul.f32 v39, v30  }
0x83: {  	v21 =	vld.idx.msk [tilespmem:v20+s28+$0x0], $0xffff;
	v22 =	vmul.f32 v22, v30;
	v23 =	vmul.f32 v23, v30;
	v24 =	vsel vm2, v14, v24  }
0x84: {  	v57 =	vld.idx.msk [tilespmem:v55+s3+$0x0], $0xffff;
	v43 =	vadd.s32 v11, v37;
	(erf) = vpow2.f32 v36;
	v40 =	vmul.f32 v40, v24  }
0x85: {  	v58 =	vld.idx.msk [tilespmem:v27+s31+$0x0], $0xffff;
	v25 =	vsel vm2, v13, v25;
	v42 =	vmul.f32 v42, v24;
	v24 =	vmul.f32 v56, v24  }
0x86: {  	v59 =	vld.idx.msk [tilespmem:v27+s24+$0x0], $0xffff;
	v35 =	vmul.f32 v47, v25;
	(erf) = vpow2.f32 v41;
	v30 =	vadd.f32 v40, v39  }
0x87: {  	v44 =	vld.idx.msk [tilespmem:v27+s28+$0x0], $0xffff;
	v31 =	vmul.f32 v31, v25;
	v22 =	vadd.f32 v42, v22;
	v23 =	vadd.f32 v24, v23  }
0x88: {  	v39 =	vadd.s32 v10, v37;
	v21 =	vmul.f32 v21, v25;
	v25 =	vld.idx.msk [tilespmem:v20+s0+$0x0], $0xffff;
	v24 =	vadd.f32 v35, v30  }
0x89: {  	v61 =	vld.idx.msk [tilespmem:v20+s1+$0x0], $0xffff;
	v30 =	vsel vm1, v12, v57;
	v22 =	vadd.f32 v31, v22;
	v31 =	vadd.s32 v7, v53  }
0x8a: {  	v36 =	vmul.f32 v58, v30;
	v21 =	vadd.f32 v21, v23;
	v23 =	vmul.f32 v24, v13  }
0x8b: {  	v35 =	vor.u32 v9, v37;
	v38 =	vmul.f32 v59, v30;
	v22 =	vmul.f32 v22, v15  }
0x8c: {  	v34 =	vmul.f32 v44, v30;
	v46 =	vpop (erf);
	v21 =	vmul.f32 v21, v14;
	v41 =	vadd.f32 v60, v23  }
0x8d: {  	v24 =	vpop (erf);
	v47 =	vmul.f32 v46, v46;
	v42 =	vmul.f32 $2.164104430e-01, v46;
	v40 =	vadd.f32 v25, v22  }
0x8e: {  	v37 =	vld.idx.msk [tilespmem:v26+s31+$0x0], $0xffff;
	v30 =	vmul.f32 $9.954273100e-01, v24;
	v32 =	vadd.f32 v61, v21;
	v21 =	vand.u32 $0x7FFFFFFF, v41  }
0x8f: {  	v44 =	vld.idx.msk [tilespmem:v27+s30+$0x0], $0xffff;
	v51 =	vmul.f32 v24, v24;
	v48 =	vpop (erf);
	v62 =	vmul.f32 $2.164104430e-01, v24;
	v25 =	vsub.f32 $0.0e+00, v21  }
0x90: {  	v22 =	vld [tilespmem:s8+$0x20];
	v24 =	vand.u32 $0x7FFFFFFF, v40;
	v52 =	vmul.f32 v48, v48;
	v54 =	vmul.f32 $2.164104430e-01, v48  }
0x91: {  	v23 =	vld [tilespmem:s8+$0x60];
	v63 =	vsub.f32 $0.0e+00, v24;
	v53 =	vand.u32 $0x7FFFFFFF, v32;
	v55 =	vmul.f32 $1.442695020e+00, v25  }
0x92: {  	v21 =	vld [tilespmem:s8+$0x30];
	v56 =	vmul.f32 $5.486285310e-02, v51;
	v58 =	vadd.f32 $-4.640725850e-01, v62;
	v53 =	vsub.f32 $0.0e+00, v53  }
0x93: {  	v24 =	vld [tilespmem:s8+$0x70];
	v62 =	vadd.f32 $-4.640725850e-01, v42;
	v57 =	vmul.f32 $1.442695020e+00, v63;
	(erf) = vpow2.f32 v55  }
0x94: {  	v42 =	vld.idx.msk [tilespmem:v26+s24+$0x0], $0xffff;
	v54 =	vadd.f32 $-4.640725850e-01, v54;
	v61 =	vmul.f32 $5.486285310e-02, v52;
	v60 =	vmul.f32 $1.442695020e+00, v53  }
0x95: {  	v59 =	vmul.f32 $5.486285310e-02, v47;
	v25 =	vld [tilespmem:s8+$0xB0];
	v56 =	vsub.f32 v58, v56;
	(erf) = vpow2.f32 v57  }
0x96: {  	v63 =	vmul.f32 $9.954273100e-01, v48;
	v53 =	vld.idx.msk [tilespmem:v43+s3+$0x0], $0xffff;
	v54 =	vsub.f32 v54, v61;
	(erf) = vpow2.f32 v60  }
0x97: {  	v30 =	vadd.f32 $2.415121710e-04, v30;
	v48 =	vld.idx.msk [tilespmem:v26+s28+$0x0], $0xffff;
	v57 =	vsub.f32 v62, v59;
	v60 =	vmul.f32 $9.954273100e-01, v46  }
0x98: {  	v43 =	vld.idx.msk [tilespmem:v27+s29+$0x0], $0xffff;
	v56 =	vmul.f32 v56, v51;
	v58 =	vadd.f32 $2.415121710e-04, v63;
	v52 =	vmul.f32 v54, v52  }
0x99: {  	v50 =	vmax.f32 v50, $0.0e+00;
	v46 =	vld.idx.msk [tilespmem:v45+s3+$0x0], $0xffff;
	v62 =	vmul.f32 v57, v47;
	v61 =	vadd.f32 $2.415121710e-04, v60  }
0x9a: {  	v33 =	vmax.f32 v33, $0.0e+00;
	v30 =	vadd.f32 v56, v30;
	v45 =	vld.idx.msk [tilespmem:v27+s22+$0x0], $0xffff;
	v63 =	vadd.f32 v52, v58  }
0x9b: {  	v47 =	vld.idx.msk [tilespmem:v31+s3+$0x0], $0xffff;
	v31 =	vmax.f32 v49, $0.0e+00;
	v51 =	vsel vm0, v25, v53;
	v52 =	vadd.f32 v62, v61  }
0x9c: {  	s9 =	simm.s32 $0x100;
	v49 =	vld.idx.msk [tilespmem:v27+s23+$0x0], $0xffff;
	v31 =	vadd.f32 v30, v31;
	v37 =	vmul.f32 v37, v51;
	v30 =	vadd.f32 v63, v50;
	v50 =	vpop (erf)  }
.LBB2_3:
0x9d: {  	v33 =	vadd.f32 v52, v33;
	v52 =	vmul.f32 v42, v51  }
0x9e: {  	p0 =	sne.s32 s9, $0x300;
	v48 =	vmul.f32 v48, v51;
	v51 =	vpop (erf);
	v54 =	vmul.f32 $9.954273100e-01, v50;
	v46 =	vsel vm1, v22, v46  }
0x9f: {  	v59 =	vmul.f32 v50, v50;
	v42 =	vadd.f32 v30, v31;
	v53 =	vmul.f32 $9.954273100e-01, v51;
	v55 =	vpop (erf)  }
0xa0: {  	v50 =	vmul.f32 $2.164104430e-01, v50;
	v47 =	vsel vm1, v23, v47;
	v56 =	vmul.f32 $9.954273100e-01, v55;
	v57 =	vld.idx.msk [tilespmem:v27+s26+$0x0], $0xffff  }
0xa1: {  	v41 =	vmax.f32 v41, $0.0e+00;
	v43 =	vmul.f32 v43, v46;
	v44 =	vmul.f32 v44, v47;
	v58 =	vld.idx.msk [tilespmem:v27+s25+$0x0], $0xffff  }
0xa2: {  	v40 =	vmax.f32 v40, $0.0e+00;
	v45 =	vmul.f32 v45, v46;
	v49 =	vmul.f32 v49, v47  }
0xa3: {  	v50 =	vadd.f32 $-4.640725850e-01, v50;
	v43 =	vadd.f32 v44, v43;
	v60 =	vld.idx.msk [tilespmem:v27+s21+$0x0], $0xffff  }
0xa4: {  	v44 =	vmul.f32 v51, v51;
	v51 =	vmul.f32 $2.164104430e-01, v51;
	v45 =	vadd.f32 v49, v45;
	v61 =	vld.idx.msk [tilespmem:v27+s0+$0x0], $0xffff  }
0xa5: {  	v49 =	vmul.f32 v55, v55;
	v55 =	vmul.f32 $2.164104430e-01, v55;
	v36 =	vadd.f32 v36, v43;
	v62 =	vld.idx.msk [tilespmem:v27+s1+$0x0], $0xffff  }
0xa6: {  	v43 =	vadd.f32 $2.415121710e-04, v54;
	v38 =	vadd.f32 v38, v45;
	v45 =	vmul.f32 v57, v47;
	v47 =	vld.idx.msk [tilespmem:v26+s29+$0x0], $0xffff  }
0xa7: {  	v53 =	vadd.f32 $2.415121710e-04, v53;
	v46 =	vmul.f32 v58, v46;
	v36 =	vmul.f32 v36, v12;
	v54 =	vld.idx.msk [tilespmem:v26+s22+$0x0], $0xffff  }
0xa8: {  	v56 =	vadd.f32 $2.415121710e-04, v56;
	v55 =	vadd.f32 $-4.640725850e-01, v55;
	v38 =	vmul.f32 v38, v22;
	v57 =	vld.idx.msk [tilespmem:v26+s23+$0x0], $0xffff  }
0xa9: {  	v58 =	vmul.f32 $5.486285310e-02, v59;
	v45 =	vadd.f32 v45, v46;
	v36 =	vadd.f32 v60, v36;
	v35 =	vld.idx.msk [tilespmem:v35+s3+$0x0], $0xffff  }
0xaa: {  	v46 =	vadd.f32 $-4.640725850e-01, v51;
	v51 =	vmul.f32 $5.486285310e-02, v44;
	v38 =	vadd.f32 v61, v38;
	v39 =	vld.idx.msk [tilespmem:v39+s3+$0x0], $0xffff  }
0xab: {  	v50 =	vsub.f32 v50, v58;
	v34 =	vadd.f32 v34, v45;
	v45 =	vand.u32 $0x7FFFFFFF, v36;
	v60 =	vld.idx.msk [tilespmem:v26+s25+$0x0], $0xffff  }
0xac: {  	v61 =	vmul.f32 $5.486285310e-02, v49;
	v63 =	vand.u32 $0x7FFFFFFF, v38;
	v45 =	vsub.f32 $0.0e+00, v45;
	v0 =	vld.idx.msk [tilespmem:v26+s26+$0x0], $0xffff  }
0xad: {  	v46 =	vsub.f32 v46, v51;
	v58 =	vsub.f32 $0.0e+00, v63;
	v34 =	vmul.f32 v34, v23;
	v63 =	vld.idx.msk [tilespmem:v26+s30+$0x0], $0xffff  }
0xae: {  	v50 =	vmul.f32 v50, v59;
	v51 =	vsub.f32 v55, v61;
	v45 =	vmul.f32 $1.442695020e+00, v45  }
0xaf: {  	v55 =	vmul.f32 $1.442695020e+00, v58;
	v58 =	vadd.f32 v62, v34;
	v62 =	vlaneseq.u32  }
0xb0: {  	v34 =	vsel vm0, v21, v35;
	v35 =	vsel vm0, v24, v39;
	(erf) = vpow2.f32 v45  }
0xb1: {  	v39 =	vand.u32 $0x7FFFFFFF, v58;
	v45 =	vmul.f32 v54, v34;
	v54 =	vmul.f32 v57, v35  }
0xb2: {  	v57 =	vmul.f32 v60, v34;
	v39 =	vsub.f32 $0.0e+00, v39;
	v0 =	vmul.f32 v0, v35  }
0xb3: {  	v34 =	vmul.f32 v47, v34;
	v45 =	vadd.f32 v54, v45;
	v35 =	vmul.f32 v63, v35;
	v59 =	vld.idx.msk [tilespmem:v26+s0+$0x0], $0xffff  }
0xb4: {  	v44 =	vmul.f32 v46, v44;
	v0 =	vadd.f32 v0, v57;
	v46 =	vld.idx.msk [tilespmem:v26+s1+$0x0], $0xffff;
	(erf) = vpow2.f32 v55  }
0xb5: {  	v39 =	vmul.f32 $1.442695020e+00, v39;
	v45 =	vadd.f32 v52, v45;
	v34 =	vadd.f32 v35, v34;
	v47 =	vld.idx.msk [tilespmem:v26+s21+$0x0], $0xffff  }
0xb6: {  	v35 =	vmul.f32 v51, v49;
	v49 =	vadd.f32 v50, v43;
	v0 =	vadd.f32 v48, v0  }
0xb7: {  	v45 =	vmul.f32 v45, v21;
	v37 =	vadd.f32 v37, v34;
	(erf) = vpow2.f32 v39  }
0xb8: {  	v39 =	vadd.f32 v44, v53;
	v44 =	vadd.f32 v35, v56;
	v0 =	vmul.f32 v0, v24  }
0xb9: {  	v34 =	vadd.f32 v49, v41;
	v41 =	vadd.f32 v59, v45;
	v37 =	vmul.f32 v37, v25;
	v43 =	vpop (erf)  }
0xba: {  	v32 =	vmax.f32 v32, $0.0e+00;
	v35 =	vadd.f32 v39, v40;
	v0 =	vadd.f32 v46, v0  }
0xbb: {  	v32 =	vadd.f32 v44, v32;
	v39 =	vand.u32 $0x7FFFFFFF, v41;
	v37 =	vadd.f32 v47, v37  }
0xbc: {  	v40 =	vmul.f32 v43, v43;
	v39 =	vsub.f32 $0.0e+00, v39;
	v44 =	vand.u32 $0x7FFFFFFF, v0  }
0xbd: {  	v45 =	vmul.f32 $2.164104430e-01, v43;
	v44 =	vsub.f32 $0.0e+00, v44;
	v46 =	vand.u32 $0x7FFFFFFF, v37;
	v47 =	vpop (erf)  }
0xbe: {  	v39 =	vmul.f32 $1.442695020e+00, v39;
	v46 =	vsub.f32 $0.0e+00, v46;
	v48 =	vmul.f32 v47, v47  }
0xbf: {  	v49 =	vadd.f32 v32, v35;
	v50 =	vmul.f32 $2.164104430e-01, v47;
	v44 =	vmul.f32 $1.442695020e+00, v44  }
0xc0: {  	v42 =	vadd.f32 v33, v42;
	v46 =	vmul.f32 $1.442695020e+00, v46;
	v51 =	vpop (erf);
	(erf) = vpow2.f32 v39  }
0xc1: {  	v39 =	vadd.f32 v34, v49;
	v49 =	vmul.f32 v51, v51;
	(erf) = vpow2.f32 v44  }
0xc2: {  	v45 =	vadd.f32 $-4.640725850e-01, v45;
	v44 =	vmul.f32 $2.164104430e-01, v51;
	(erf) = vpow2.f32 v46  }
0xc3: {  	v52 =	vmul.f32 $5.486285310e-02, v40;
	v46 =	vadd.f32 $-4.640725850e-01, v50;
	v50 =	vmul.f32 $5.486285310e-02, v48  }
0xc4: {  	v43 =	vmul.f32 $9.954273100e-01, v43;
	v44 =	vadd.f32 $-4.640725850e-01, v44;
	v53 =	vmul.f32 $5.486285310e-02, v49  }
0xc5: {  	v47 =	vmul.f32 $9.954273100e-01, v47;
	v45 =	vsub.f32 v45, v52;
	v46 =	vsub.f32 v46, v50  }
0xc6: {  	v50 =	vmul.f32 $9.954273100e-01, v51;
	v51 =	vadd.f32 $2.415121710e-04, v43;
	v44 =	vsub.f32 v44, v53  }
0xc7: {  	v47 =	vadd.f32 $2.415121710e-04, v47;
	v40 =	vmul.f32 v45, v40;
	v46 =	vmul.f32 v46, v48  }
0xc8: {  	v38 =	vmax.f32 v38, $0.0e+00;
	v45 =	vadd.f32 $2.415121710e-04, v50;
	v44 =	vmul.f32 v44, v49  }
0xc9: {  	v40 =	vadd.f32 v40, v51;
	v46 =	vadd.f32 v46, v47;
	v47 =	vmax.f32 v58, $0.0e+00;
	v43 =	vpop (erf)  }
0xca: {  	v44 =	vadd.f32 v44, v45;
	v45 =	vmul.f32 v43, v43;
	v48 =	vmul.f32 $2.164104430e-01, v43;
	v49 =	vpop (erf)  }
0xcb: {  	v38 =	vadd.f32 v46, v38;
	v46 =	vmul.f32 v49, v49;
	v50 =	vmul.f32 $2.164104430e-01, v49;
	v51 =	vpop (erf)  }
0xcc: {  	v48 =	vadd.f32 $-4.640725850e-01, v48;
	v52 =	vmul.f32 v51, v51;
	v53 =	vmul.f32 $2.164104430e-01, v51  }
0xcd: {  	v54 =	vmul.f32 $5.486285310e-02, v45;
	v50 =	vadd.f32 $-4.640725850e-01, v50;
	v55 =	vmul.f32 $5.486285310e-02, v46  }
0xce: {  	v43 =	vmul.f32 $9.954273100e-01, v43;
	v53 =	vadd.f32 $-4.640725850e-01, v53;
	v56 =	vmul.f32 $5.486285310e-02, v52  }
0xcf: {  	v49 =	vmul.f32 $9.954273100e-01, v49;
	v48 =	vsub.f32 v48, v54;
	v50 =	vsub.f32 v50, v55  }
0xd0: {  	v43 =	vadd.f32 $2.415121710e-04, v43;
	v51 =	vmul.f32 $9.954273100e-01, v51;
	v53 =	vsub.f32 v53, v56  }
0xd1: {  	v45 =	vmul.f32 v48, v45;
	v48 =	vadd.f32 $2.415121710e-04, v49;
	v46 =	vmul.f32 v50, v46  }
0xd2: {  	v44 =	vadd.f32 v44, v47;
	v47 =	vadd.f32 $2.415121710e-04, v51;
	v49 =	vmul.f32 v53, v52  }
0xd3: {  	v43 =	vadd.f32 v45, v43;
	v45 =	vadd.f32 v46, v48  }
0xd4: {  	v41 =	vmax.f32 v41, $0.0e+00;
	v0 =	vmax.f32 v0, $0.0e+00;
	v46 =	vadd.f32 v49, v47  }
0xd5: {  	s10 =	sshra.s32 s9, $0x2;
	v36 =	vmax.f32 v36, $0.0e+00;
	v41 =	vadd.f32 v43, v41;
	v0 =	vadd.f32 v45, v0  }
0xd6: {  	v37 =	vmax.f32 v37, $0.0e+00;
	v36 =	vadd.f32 v40, v36;
	v40 =	vadd.f32 v44, v38;
	v43 =	vld.idx.msk [tilespmem:v28+s10+$0xFFFFFFE0 ss:$0x1], $0xffff  }
0xd7: {  	v37 =	vadd.f32 v46, v37;
	v45 =	vadd.f32 v0, v41  }
0xd8: {  	v40 =	vadd.f32 v36, v40;
	(erf) = vrcp.f32 v42  }
0xd9: {  	v42 =	vadd.f32 v37, v45;
	(erf) = vrcp.f32 v39  }
0xda: {  	(erf) = vrcp.f32 v40  }
0xdb: {  	(erf) = vrcp.f32 v42  }
0xdc: {  	v39 =	vshrl.u32 v43, $0x7;
	_ =	sdelay $0x1  }
0xdd: {  	v40 =	vand.u32 $0x7F, v43  }
0xde: {  	v42 =	vshll.u32 v40, $0x6  }
0xdf: {  	vm0 =	veq.s32 v19, $0x0;
	v19 =	vmov v39;
	v43 =	vadd.s32 v2, v42;
	v45 =	vld.idx.msk [tilespmem:v28+s10+$0xFFFFFFF0 ss:$0x1], $0xffff  }
0xe0: {  	vm2 =	veq.s32 v27, $0x0;
	vm1 =	veq.s32 v20, $0x0;
	v46 =	vor.u32 v62, v42;
	v47 =	vld.idx.msk [tilespmem:v39+s31+$0x0], $0xffff;
	v20 =	vpop (erf)  }
0xe1: {  	v27 =	vadd.s32 v1, v42;
	v42 =	vld.idx.msk [tilespmem:v39+s29+$0x0], $0xffff;
	v31 =	vmul.f32 v20, v31;
	v30 =	vmul.f32 v20, v30;
	v48 =	vpop (erf)  }
0xe2: {  	vm3 =	veq.s32 v26, $0x0;
	v49 =	vld.idx.msk [tilespmem:v39+s30+$0x0], $0xffff;
	v35 =	vmul.f32 v48, v35;
	v32 =	vmul.f32 v48, v32;
	v26 =	vpop (erf)  }
0xe3: {  	v39 =	vld.idx.msk [tilespmem:v39+s22+$0x0], $0xffff;
	v17 =	vsel vm0, v17, v30;
	v30 =	vmul.f32 v26, v38;
	v38 =	vmul.f32 v26, v44;
	v44 =	vpop (erf)  }
0xe4: {  	v43 =	vld.idx.msk [tilespmem:v43+s3+$0x0], $0xffff;
	v14 =	vsel vm1, v14, v32;
	v32 =	vmul.f32 v44, v41;
	v0 =	vmul.f32 v44, v0  }
0xe5: {  	v18 =	vsel vm0, v18, v31;
	v15 =	vsel vm1, v15, v35;
	v41 =	vld.idx.msk [tilespmem:v46+s3+$0x0], $0xffff;
	v23 =	vsel vm2, v23, v38  }
0xe6: {  	v22 =	vsel vm2, v22, v30;
	v27 =	vld.idx.msk [tilespmem:v27+s3+$0x0], $0xffff;
	v21 =	vsel vm3, v21, v32;
	v24 =	vsel vm3, v24, v0  }
0xe7: {  	v26 =	vmul.f32 v26, v36;
	v30 =	vmul.f32 v44, v37;
	v0 =	vld.idx.msk [tilespmem:v19+s23+$0x0], $0xffff  }
0xe8: {  	v20 =	vmul.f32 v20, v33;
	v32 =	vmul.f32 v48, v34;
	v31 =	vld.idx.msk [tilespmem:v19+s25+$0x0], $0xffff  }
0xe9: {  	v12 =	vsel vm2, v12, v26;
	v25 =	vsel vm3, v25, v30;
	v33 =	vld.idx.msk [tilespmem:v19+s26+$0x0], $0xffff  }
0xea: {  	v16 =	vsel vm0, v16, v20;
	vm2 =	veq.s32 v40, v29;
	v13 =	vsel vm1, v13, v32;
	v26 =	vld.idx.msk [tilespmem:v19+s24+$0x0], $0xffff  }
0xeb: {  	v20 =	vshrl.u32 v45, $0x7;
	v30 =	vsel vm2, v16, v43;
	v32 =	vld.idx.msk [tilespmem:v19+s28+$0x0], $0xffff  }
0xec: {  	v34 =	vsel vm2, v18, v41;
	v35 =	vmul.f32 v47, v30;
	v27 =	vsel vm2, v17, v27;
	v36 =	vld.idx.msk [tilespmem:v28+s10+$0x0 ss:$0x1], $0xffff  }
0xed: {  	v40 =	vand.u32 $0x7F, v45;
	v37 =	vmul.f32 v42, v34;
	v38 =	vmul.f32 v49, v27;
	v41 =	vld.idx.msk [tilespmem:v28+s10+$0x10 ss:$0x1], $0xffff  }
0xee: {  	v43 =	vshll.u32 v40, $0x6;
	v39 =	vmul.f32 v39, v34;
	v0 =	vmul.f32 v0, v27;
	v42 =	vld.idx.msk [tilespmem:v19+s21+$0x0], $0xffff  }
0xef: {  	v31 =	vmul.f32 v31, v34;
	v27 =	vmul.f32 v33, v27;
	v33 =	vadd.f32 v38, v37;
	v44 =	vld.idx.msk [tilespmem:v19+s0+$0x0], $0xffff  }
0xf0: {  	v0 =	vadd.f32 v0, v39;
	v37 =	vadd.s32 v5, v43;
	v26 =	vmul.f32 v26, v30;
	v34 =	vld.idx.msk [tilespmem:v19+s1+$0x0], $0xffff  }
0xf1: {  	v27 =	vadd.f32 v27, v31;
	v30 =	vmul.f32 v32, v30;
	v31 =	vadd.f32 v35, v33;
	v32 =	vld.idx.msk [tilespmem:v20+s31+$0x0], $0xffff  }
0xf2: {  	v35 =	vor.u32 v3, v43;
	v0 =	vadd.f32 v26, v0;
	v38 =	vld.idx.msk [tilespmem:v20+s24+$0x0], $0xffff  }
0xf3: {  	v39 =	vadd.s32 v4, v43;
	v26 =	vadd.f32 v30, v27;
	v27 =	vmul.f32 v31, v16;
	v43 =	vld.idx.msk [tilespmem:v20+s29+$0x0], $0xffff  }
0xf4: {  	v0 =	vmul.f32 v0, v18;
	v45 =	vld.idx.msk [tilespmem:v20+s30+$0x0], $0xffff  }
0xf5: {  	v31 =	vmul.f32 v26, v17;
	v33 =	vadd.f32 v42, v27;
	v27 =	vshrl.u32 v36, $0x7;
	v42 =	vld.idx.msk [tilespmem:v20+s22+$0x0], $0xffff  }
0xf6: {  	v36 =	vand.u32 $0x7F, v36;
	v26 =	vshrl.u32 v41, $0x7;
	v30 =	vadd.f32 v44, v0;
	v0 =	vld.idx.msk [tilespmem:v37+s3+$0x0], $0xffff  }
0xf7: {  	v31 =	vadd.f32 v34, v31;
	v34 =	vand.u32 $0x7FFFFFFF, v33;
	v37 =	vshll.u32 v36, $0x6;
	v35 =	vld.idx.msk [tilespmem:v35+s3+$0x0], $0xffff  }
0xf8: {  	v44 =	vand.u32 $0x7FFFFFFF, v30;
	v34 =	vsub.f32 $0.0e+00, v34;
	v46 =	vadd.s32 v8, v37;
	v39 =	vld.idx.msk [tilespmem:v39+s3+$0x0], $0xffff  }
0xf9: {  	v41 =	vand.u32 $0x7F, v41;
	v44 =	vsub.f32 $0.0e+00, v44;
	v47 =	vand.u32 $0x7FFFFFFF, v31;
	v48 =	vld.idx.msk [tilespmem:v20+s23+$0x0], $0xffff  }
0xfa: {  	vm2 =	veq.s32 v40, v29;
	v47 =	vsub.f32 $0.0e+00, v47;
	v34 =	vmul.f32 $1.442695020e+00, v34;
	v40 =	vld.idx.msk [tilespmem:v20+s25+$0x0], $0xffff  }
0xfb: {  	vm1 =	veq.s32 v36, v29;
	vm0 =	veq.s32 v41, v29;
	v44 =	vmul.f32 $1.442695020e+00, v44;
	v49 =	vld.idx.msk [tilespmem:v20+s26+$0x0], $0xffff  }
0xfc: {  	v36 =	vmul.f32 $1.442695020e+00, v47;
	v0 =	vsel vm2, v13, v0;
	v47 =	vld.idx.msk [tilespmem:v20+s28+$0x0], $0xffff;
	(erf) = vpow2.f32 v34  }
0xfd: {  	v32 =	vmul.f32 v32, v0;
	v34 =	vld.idx.msk [tilespmem:v46+s3+$0x0], $0xffff;
	v46 =	vshll.u32 v41, $0x6;
	(erf) = vpow2.f32 v44  }
0xfe: {  	v35 =	vsel vm2, v15, v35;
	v39 =	vsel vm2, v14, v39;
	v41 =	vld.idx.msk [tilespmem:v27+s31+$0x0], $0xffff;
	(erf) = vpow2.f32 v36  }
0xff: {  	v36 =	vmul.f32 v43, v35;
	v43 =	vmul.f32 v45, v39;
	v45 =	vadd.s32 v11, v46;
	v44 =	vld.idx.msk [tilespmem:v27+s24+$0x0], $0xffff  }
0x100: {  	v50 =	vor.u32 v6, v37;
	v42 =	vmul.f32 v42, v35;
	v48 =	vmul.f32 v48, v39;
	v51 =	vld.idx.msk [tilespmem:v27+s28+$0x0], $0xffff  }
0x101: {  	v35 =	vmul.f32 v40, v35;
	v39 =	vmul.f32 v49, v39;
	v36 =	vadd.f32 v43, v36;
	v52 =	vld.idx.msk [tilespmem:v20+s21+$0x0], $0xffff  }
0x102: {  	v38 =	vmul.f32 v38, v0;
	v42 =	vadd.f32 v48, v42;
	v0 =	vmul.f32 v47, v0;
	v40 =	vld.idx.msk [tilespmem:v20+s0+$0x0], $0xffff  }
0x103: {  	v35 =	vadd.f32 v39, v35;
	v32 =	vadd.f32 v32, v36;
	v34 =	vsel vm1, v12, v34;
	v43 =	vld.idx.msk [tilespmem:v20+s1+$0x0], $0xffff  }
0x104: {  	v37 =	vadd.s32 v7, v37;
	v39 =	vadd.f32 v38, v42;
	v36 =	vmul.f32 v41, v34  }
0x105: {  	v0 =	vadd.f32 v0, v35;
	v32 =	vmul.f32 v32, v13;
	v38 =	vmul.f32 v44, v34;
	v47 =	vpop (erf)  }
0x106: {  	v39 =	vmul.f32 v39, v15;
	v35 =	vor.u32 v9, v46;
	v34 =	vmul.f32 v51, v34;
	v42 =	vpop (erf)  }
0x107: {  	v0 =	vmul.f32 v0, v14;
	v41 =	vadd.f32 v52, v32;
	v48 =	vmul.f32 $9.954273100e-01, v42;
	v49 =	vpop (erf)  }
0x108: {  	v51 =	vmul.f32 v47, v47;
	v44 =	vmul.f32 $2.164104430e-01, v47;
	v40 =	vadd.f32 v40, v39  }
0x109: {  	v52 =	vmul.f32 v42, v42;
	v32 =	vadd.f32 v43, v0;
	v0 =	vand.u32 $0x7FFFFFFF, v41  }
0x10a: {  	v42 =	vmul.f32 $2.164104430e-01, v42;
	v39 =	vand.u32 $0x7FFFFFFF, v40;
	v0 =	vsub.f32 $0.0e+00, v0  }
0x10b: {  	v53 =	vmul.f32 v49, v49;
	v39 =	vsub.f32 $0.0e+00, v39;
	v43 =	vand.u32 $0x7FFFFFFF, v32  }
0x10c: {  	v54 =	vmul.f32 $2.164104430e-01, v49;
	v43 =	vsub.f32 $0.0e+00, v43;
	v0 =	vmul.f32 $1.442695020e+00, v0  }
0x10d: {  	v55 =	vmul.f32 $5.486285310e-02, v52;
	v56 =	vmul.f32 $1.442695020e+00, v39;
	v39 =	vadd.s32 v10, v46;
	v57 =	vld.idx.msk [tilespmem:v26+s31+$0x0], $0xffff  }
0x10e: {  	v42 =	vadd.f32 $-4.640725850e-01, v42;
	v46 =	vmul.f32 $1.442695020e+00, v43;
	v45 =	vld.idx.msk [tilespmem:v45+s3+$0x0], $0xffff;
	(erf) = vpow2.f32 v0  }
0x10f: {  	v0 =	vadd.f32 $-4.640725850e-01, v54;
	v54 =	vmul.f32 $5.486285310e-02, v53;
	v43 =	vld.idx.msk [tilespmem:v27+s29+$0x0], $0xffff;
	(erf) = vpow2.f32 v56  }
0x110: {  	v58 =	vmul.f32 $5.486285310e-02, v51;
	v56 =	vadd.f32 $-4.640725850e-01, v44;
	v44 =	vld.idx.msk [tilespmem:v27+s30+$0x0], $0xffff;
	(erf) = vpow2.f32 v46  }
0x111: {  	v49 =	vmul.f32 $9.954273100e-01, v49;
	v46 =	vsub.f32 v42, v55;
	v0 =	vsub.f32 v0, v54;
	v42 =	vld.idx.msk [tilespmem:v26+s24+$0x0], $0xffff  }
0x112: {  	v47 =	vmul.f32 $9.954273100e-01, v47;
	v54 =	vadd.f32 $2.415121710e-04, v48;
	v55 =	vsub.f32 v56, v58;
	v48 =	vld.idx.msk [tilespmem:v26+s28+$0x0], $0xffff  }
.Ltmp0:
0x113: {  	v49 =	vadd.f32 $2.415121710e-04, v49;
	v52 =	vmul.f32 v46, v52;
	v0 =	vmul.f32 v0, v53;
	v46 =	vld.idx.msk [tilespmem:v50+s3+$0x0], $0xffff;
	(pc) =	sbr.rel @p0 .LBB2_3-.Ltmp0, $4  }
0x114: {  	v56 =	vadd.f32 $2.415121710e-04, v47;
	v53 =	vmul.f32 v55, v51;
	v51 =	vsel vm0, v25, v45;
	v47 =	vld.idx.msk [tilespmem:v37+s3+$0x0], $0xffff  }
0x115: {  	v54 =	vadd.f32 v52, v54;
	v0 =	vadd.f32 v0, v49;
	v37 =	vmul.f32 v57, v51;
	v45 =	vld.idx.msk [tilespmem:v27+s22+$0x0], $0xffff  }
0x116: {  	v30 =	vmax.f32 v30, $0.0e+00;
	v55 =	vmax.f32 v31, $0.0e+00;
	v52 =	vadd.f32 v53, v56;
	v49 =	vld.idx.msk [tilespmem:v27+s23+$0x0], $0xffff  }
0x117: {  	s9 =	sadd.s32 $0x100, s9;
	v33 =	vmax.f32 v33, $0.0e+00;
	v31 =	vadd.f32 v54, v30;
	v30 =	vadd.f32 v0, v55;
	v50 =	vpop (erf)  }
0x118: {  	_ = 	snop  }
0x119: {  	v28 =	vadd.f32 v52, v33;
	v0 =	vmul.f32 v42, v51;
	v33 =	vmul.f32 v48, v51  }
0x11a: {  	v51 =	vmul.f32 $9.954273100e-01, v50;
	v46 =	vsel vm1, v22, v46;
	v41 =	vmax.f32 v41, $0.0e+00  }
0x11b: {  	v29 =	vpop (erf);
	v40 =	vmax.f32 v40, $0.0e+00;
	v56 =	vmul.f32 v50, v50;
	v63 =	vmul.f32 $2.164104430e-01, v50  }
0x11c: {  	v55 =	vld.idx.msk [tilespmem:v27+s25+$0x0], $0xffff;
	v48 =	vmul.f32 $9.954273100e-01, v29;
	v47 =	vsel vm1, v23, v47;
	v43 =	vmul.f32 v43, v46  }
0x11d: {  	v54 =	vld.idx.msk [tilespmem:v27+s26+$0x0], $0xffff;
	v32 =	vmax.f32 v32, $0.0e+00;
	v57 =	vmul.f32 v29, v29;
	v44 =	vmul.f32 v44, v47  }
0x11e: {  	v35 =	vld.idx.msk [tilespmem:v35+s3+$0x0], $0xffff;
	v42 =	vadd.f32 v30, v31;
	v61 =	vpop (erf);
	v45 =	vmul.f32 v45, v46;
	v49 =	vmul.f32 v49, v47  }
0x11f: {  	v39 =	vld.idx.msk [tilespmem:v39+s3+$0x0], $0xffff;
	v58 =	vmul.f32 $2.164104430e-01, v29;
	v53 =	vmul.f32 $9.954273100e-01, v61;
	v51 =	vadd.f32 $2.415121710e-04, v51  }
0x120: {  	v59 =	vld.idx.msk [tilespmem:v26+s23+$0x0], $0xffff;
	v52 =	vmul.f32 $2.164104430e-01, v61;
	v43 =	vadd.f32 v44, v43;
	v60 =	vadd.f32 v49, v45  }
0x121: {  	v50 =	vadd.f32 $-4.640725850e-01, v63;
	v48 =	vadd.f32 $2.415121710e-04, v48;
	v44 =	vld.idx.msk [tilespmem:v27+s21+$0x0], $0xffff;
	v46 =	vmul.f32 v55, v46  }
0x122: {  	v45 =	vld.idx.msk [tilespmem:v27+s0+$0x0], $0xffff;
	v36 =	vadd.f32 v36, v43;
	v29 =	vadd.f32 v38, v60;
	v38 =	vmul.f32 v54, v47  }
0x123: {  	v49 =	vmul.f32 v61, v61;
	v35 =	vsel vm0, v21, v35;
	v60 =	vmul.f32 $5.486285310e-02, v56  }
0x124: {  	v39 =	vsel vm0, v24, v39;
	v36 =	vmul.f32 v36, v12;
	v38 =	vadd.f32 v38, v46  }
0x125: {  	v43 =	vld.idx.msk [tilespmem:v27+s1+$0x0], $0xffff;
	v55 =	vmul.f32 v29, v22;
	v46 =	vadd.f32 $-4.640725850e-01, v52;
	v50 =	vsub.f32 v50, v60  }
0x126: {  	v52 =	vld.idx.msk [tilespmem:v26+s25+$0x0], $0xffff;
	v29 =	vadd.f32 v44, v36;
	v36 =	vadd.f32 $-4.640725850e-01, v58;
	v44 =	vmul.f32 $5.486285310e-02, v57  }
0x127: {  	v59 =	vmul.f32 v59, v39;
	v54 =	vld.idx.msk [tilespmem:v26+s22+$0x0], $0xffff;
	v45 =	vadd.f32 v45, v55;
	v34 =	vadd.f32 v34, v38  }
0x128: {  	v47 =	vld.idx.msk [tilespmem:v26+s29+$0x0], $0xffff;
	v55 =	vmul.f32 $5.486285310e-02, v49;
	v61 =	vand.u32 $0x7FFFFFFF, v29;
	v36 =	vsub.f32 v36, v44  }
0x129: {  	v58 =	vand.u32 $0x7FFFFFFF, v45;
	v38 =	vsub.f32 $0.0e+00, v61;
	v61 =	vld.idx.msk [tilespmem:v26+s26+$0x0], $0xffff;
	v34 =	vmul.f32 v34, v23  }
0x12a: {  	v60 =	vld.idx.msk [tilespmem:v26+s30+$0x0], $0xffff;
	v44 =	vsub.f32 v46, v55;
	v46 =	vmul.f32 v50, v56;
	v58 =	vsub.f32 $0.0e+00, v58  }
0x12b: {  	v52 =	vmul.f32 v52, v35;
	v38 =	vmul.f32 $1.442695020e+00, v38;
	v34 =	vadd.f32 v43, v34  }
0x12c: {  	v42 =	vadd.f32 v28, v42;
	v50 =	vmul.f32 $1.442695020e+00, v58;
	v58 =	vmul.f32 v54, v35  }
0x12d: {  	v35 =	vmul.f32 v47, v35;
	(erf) = vpow2.f32 v38;
	v63 =	vand.u32 $0x7FFFFFFF, v34  }
0x12e: {  	v38 =	vsub.f32 $0.0e+00, v63;
	v63 =	vmul.f32 v61, v39;
	v43 =	vadd.f32 v59, v58  }
0x12f: {  	v53 =	vadd.f32 $2.415121710e-04, v53;
	v39 =	vmul.f32 v60, v39;
	v58 =	vld.idx.msk [tilespmem:v26+s0+$0x0], $0xffff;
	(erf) = vpow2.f32 v50  }
0x130: {  	v36 =	vmul.f32 v36, v57;
	v52 =	vadd.f32 v63, v52;
	v0 =	vadd.f32 v0, v43  }
0x131: {  	v29 =	vmax.f32 v29, $0.0e+00;
	v59 =	vld.idx.msk [tilespmem:v26+s1+$0x0], $0xffff;
	v38 =	vmul.f32 $1.442695020e+00, v38;
	v35 =	vadd.f32 v39, v35  }
0x132: {  	v36 =	vadd.f32 v36, v48;
	v60 =	vld.idx.msk [tilespmem:v26+s21+$0x0], $0xffff;
	v33 =	vadd.f32 v33, v52;
	v0 =	vmul.f32 v0, v21  }
0x133: {  	v61 =	vmul.f32 v44, v49;
	v35 =	vadd.f32 v37, v35;
	(erf) = vpow2.f32 v38  }
0x134: {  	v63 =	vadd.f32 v46, v51;
	v33 =	vmul.f32 v33, v24;
	v0 =	vadd.f32 v58, v0  }
0x135: {  	v36 =	vadd.f32 v36, v40;
	v49 =	vadd.f32 v61, v53;
	v35 =	vmul.f32 v35, v25  }
0x136: {  	v38 =	vadd.f32 v63, v41;
	v33 =	vadd.f32 v59, v33;
	v40 =	vpop (erf);
	v51 =	vand.u32 $0x7FFFFFFF, v0  }
0x137: {  	v35 =	vadd.f32 v60, v35;
	v39 =	vmul.f32 v40, v40;
	v37 =	vsub.f32 $0.0e+00, v51  }
0x138: {  	v53 =	vmul.f32 $2.164104430e-01, v40;
	v46 =	vpop (erf);
	v40 =	vmul.f32 $9.954273100e-01, v40;
	v52 =	vand.u32 $0x7FFFFFFF, v33  }
0x139: {  	v54 =	vand.u32 $0x7FFFFFFF, v35;
	v47 =	vmul.f32 v46, v46;
	v41 =	vsub.f32 $0.0e+00, v52  }
0x13a: {  	v56 =	vmul.f32 $2.164104430e-01, v46;
	v37 =	vmul.f32 $1.442695020e+00, v37;
	v44 =	vsub.f32 $0.0e+00, v54  }
0x13b: {  	v34 =	vmax.f32 v34, $0.0e+00;
	v61 =	vmul.f32 $5.486285310e-02, v39;
	v41 =	vmul.f32 $1.442695020e+00, v41  }
0x13c: {  	v32 =	vadd.f32 v49, v32;
	v44 =	vmul.f32 $1.442695020e+00, v44;
	v57 =	vpop (erf);
	(erf) = vpow2.f32 v37  }
0x13d: {  	v43 =	vadd.f32 $-4.640725850e-01, v53;
	v48 =	vmul.f32 v57, v57;
	(erf) = vpow2.f32 v41  }
0x13e: {  	v55 =	vadd.f32 v32, v36;
	v58 =	vmul.f32 $2.164104430e-01, v57;
	(erf) = vpow2.f32 v44  }
0x13f: {  	v59 =	vadd.f32 $-4.640725850e-01, v56;
	v60 =	vmul.f32 $5.486285310e-02, v47;
	v43 =	vsub.f32 v43, v61  }
0x140: {  	v46 =	vmul.f32 $9.954273100e-01, v46;
	v41 =	vadd.f32 $-4.640725850e-01, v58;
	v63 =	vmul.f32 $5.486285310e-02, v48  }
0x141: {  	v40 =	vadd.f32 $2.415121710e-04, v40;
	v39 =	vmul.f32 v43, v39;
	v44 =	vsub.f32 v59, v60  }
0x142: {  	v0 =	vmax.f32 v0, $0.0e+00;
	v56 =	vmul.f32 $9.954273100e-01, v57;
	v41 =	vsub.f32 v41, v63  }
0x143: {  	v46 =	vadd.f32 $2.415121710e-04, v46;
	v39 =	vadd.f32 v39, v40;
	v44 =	vmul.f32 v44, v47  }
0x144: {  	v37 =	vadd.f32 v38, v55;
	v58 =	vadd.f32 $2.415121710e-04, v56;
	v41 =	vmul.f32 v41, v48  }
0x145: {  	v57 =	vmax.f32 v45, $0.0e+00;
	v29 =	vadd.f32 v39, v29;
	v44 =	vadd.f32 v44, v46;
	v40 =	vpop (erf)  }
0x146: {  	v41 =	vadd.f32 v41, v58;
	v45 =	vmul.f32 v40, v40;
	v59 =	vmul.f32 $2.164104430e-01, v40;
	v47 =	vpop (erf)  }
0x147: {  	v43 =	vadd.f32 v44, v57;
	v44 =	vmul.f32 v47, v47;
	v60 =	vmul.f32 $2.164104430e-01, v47;
	v61 =	vpop (erf)  }
0x148: {  	v46 =	vadd.f32 $-4.640725850e-01, v59;
	v57 =	vmul.f32 $5.486285310e-02, v45;
	v63 =	vmul.f32 v61, v61  }
0x149: {  	v56 =	vmul.f32 $2.164104430e-01, v61;
	v48 =	vadd.f32 $-4.640725850e-01, v60;
	v58 =	vmul.f32 $5.486285310e-02, v44  }
0x14a: {  	v40 =	vmul.f32 $9.954273100e-01, v40;
	v47 =	vmul.f32 $9.954273100e-01, v47;
	v46 =	vsub.f32 v46, v57  }
0x14b: {  	v51 =	vadd.f32 $-4.640725850e-01, v56;
	v59 =	vmul.f32 $5.486285310e-02, v63;
	v48 =	vsub.f32 v48, v58  }
0x14c: {  	v40 =	vadd.f32 $2.415121710e-04, v40;
	v49 =	vmul.f32 $9.954273100e-01, v61;
	v45 =	vmul.f32 v46, v45  }
0x14d: {  	v60 =	vadd.f32 $2.415121710e-04, v47;
	v51 =	vsub.f32 v51, v59;
	v44 =	vmul.f32 v48, v44  }
0x14e: {  	(erf) = vrcp.f32 v42;
	v34 =	vadd.f32 v41, v34;
	v40 =	vadd.f32 v45, v40  }
0x14f: {  	v61 =	vadd.f32 $2.415121710e-04, v49;
	v63 =	vmul.f32 v51, v63;
	v44 =	vadd.f32 v44, v60  }
0x150: {  	v33 =	vmax.f32 v33, $0.0e+00;
	v42 =	vadd.f32 v34, v43;
	v0 =	vadd.f32 v40, v0  }
0x151: {  	(erf) = vrcp.f32 v37;
	v41 =	vadd.f32 v63, v61;
	v33 =	vadd.f32 v44, v33  }
0x152: {  	v35 =	vmax.f32 v35, $0.0e+00;
	v44 =	vadd.f32 v29, v42  }
0x153: {  	v35 =	vadd.f32 v41, v35;
	v45 =	vadd.f32 v33, v0  }
0x154: {  	(erf) = vrcp.f32 v44  }
0x155: {  	v46 =	vadd.f32 v35, v45;
	_ =	sdelay $0x1  }
0x156: {  	v47 =	vpop (erf);
	(erf) = vrcp.f32 v46  }
0x157: {  	v49 =	vmul.f32 v47, v30  }
0x158: {  	vm12 =	veq.s32 v19, $0x0;
	v28 =	vmul.f32 v47, v28  }
0x159: {  	v48 =	vmul.f32 v47, v31;
	v50 =	vpop (erf);
	v17 =	vsel vm12, v17, v49  }
0x15a: {  	v51 =	vmul.f32 v50, v36;
	v16 =	vsel vm12, v16, v28;
	[tilespmem:s8+$0x40] =	vst v17  }
0x15b: {  	vm13 =	veq.s32 v20, $0x0;
	v52 =	vmul.f32 v50, v32;
	v18 =	vsel vm12, v18, v48;
	[tilespmem:s8+$0x80] =	vst v16  }
0x15c: {  	v54 =	vmul.f32 v50, v38;
	[tilespmem:s8+$0x0] =	vst v18;
	v15 =	vsel vm13, v15, v51;
	v53 =	vpop (erf)  }
0x15d: {  	v14 =	vsel vm13, v14, v52;
	[tilespmem:s8+$0x10] =	vst v15;
	v55 =	vmul.f32 v53, v43  }
0x15e: {  	vm14 =	veq.s32 v27, $0x0;
	v13 =	vsel vm13, v13, v54;
	[tilespmem:s8+$0x50] =	vst v14;
	v56 =	vmul.f32 v53, v34  }
0x15f: {  	s7 =	sadd.s32 $0x1, s7;
	[tilespmem:s8+$0x90] =	vst v13;
	v17 =	vmul.f32 v53, v29;
	v16 =	vsel vm14, v22, v55;
	v57 =	vpop (erf)  }
0x160: {  	p0 =	sne.s32 s7, $0x18;
	v58 =	vsel vm14, v23, v56;
	[tilespmem:s8+$0x20] =	vst v16;
	v0 =	vmul.f32 v57, v0  }
.Ltmp1:
0x161: {  	vm15 =	veq.s32 v26, $0x0;
	v60 =	vsel vm14, v12, v17;
	[tilespmem:s8+$0x60] =	vst v58;
	v59 =	vmul.f32 v57, v33;
	(pc) =	sbr.rel @p0 .LBB2_2-.Ltmp1, $4  }
0x162: {  	[tilespmem:s8+$0xA0] =	vst v60;
	v61 =	vmul.f32 v57, v35;
	v0 =	vsel vm15, v21, v0  }
0x163: {  	v63 =	vsel vm15, v24, v59;
	[tilespmem:s8+$0x30] =	vst v0  }
0x164: {  	v0 =	vsel vm15, v25, v61;
	[tilespmem:s8+$0x70] =	vst v63  }
0x165: {  	s6 =	sadd.s32 $0x100, s6;
	[tilespmem:s8+$0xB0] =	vst v0  }
0x166: {  	s5 =	sadd.s32 $0x1, s5  }
0x167: {  	p0 =	sne.s32 s5, s18  }
.Ltmp2:
0x168: {  	s6 =	simm.s32 $0x1140;
	(pc) =	sbr.rel @p0 .LBB2_1-.Ltmp2, $4  }
0x169: {  	[hbm4b:s17+s19] =	stream.strided.scatter [tilespmem:s6], [sflag:$0x2], $0xC0, s20, s19, $0x38;
	[tilespmem:$0x2B20] =	vst v63  }
0x16a: {  	_ =	swait.ge [sflag:s4], $0xC0  }
0x16b: {  	[sflag:s4] =	ssyncset.done $0x0  }
0x16c: {  	[sflag:s4] =	ssyncadd.s32 $0xFFFFFF40  }
0x16d: {  	_ =	sfence.sel $0x180000  }
0x16e: {  	[bflag:$0x0] =	sbarrier.arrive $0xFFFF  }
0x16f: {  	_ =	strace $0x90000047  }
0x170: {  	s0 =	stileid.u32;
	[bflag:$0x2] =	sbarrier.arrive $0xFFFF  }
0x171: {  	p0 =	sne.s32 s0, $0x0;
	s0 =	rddreg [dreg:$0x2]  }
0x172: {  	s0 =	sadd.s32 @!p0 $0x100000, s0  }
0x173: {  	[sflag:s0] =	ssyncadd.tile.s32 @!p0 $0x1;
	_ =	shalt  }
.Lfunc_end2:
_tile_overlayer_lowered:
.L_overlay_start_2:
0x174: {  	(tag) =	ssettag $0x2  }
0x175: {  	s0 =	rddreg [dreg:$0x0];
	s2 =	stileid.u32  }
0x176: {  	s1 =	rddreg [dreg:$0x1];
	p0 =	sne.s32 s2, $0x0  }
0x177: {  	s3 =	rddreg [dreg:$0x2];
	[bflag:$0x3] =	sbarrier.arrive $0xFFFF;
	s2 =	simm.s32 @!p0 $0x1C02  }
0x178: {  	[timem:s3], [sflag:s2] =	dma.local @!p0 [hbm:s0], s1  }
0x179: {  	s0 =	simm.s32 @!p0 $0x2  }
0x17a: {  	_ =	swait.ge @!p0 [sflag:s0], s1  }
0x17b: {  	s1 =	ssub.s32 @!p0 $0x0, s1;
	[sflag:s0] =	ssyncset.done @!p0 $0x0  }
0x17c: {  	[sflag:s0] =	ssyncadd.s32 @!p0 s1  }
0x17d: {  	[bflag:$0x3] =	sbarrier.arrive $0xFFFF  }
0x17e: {  	_ =	shalt  }

</sc_bundles>
